<compile_context>
chip_gen: v7x
topology: tpu7x:2x2x1
jax: 0.10.2.dev20260603
libtpu: 0.0.44.dev20260713+nightly
codegen_flags: <defaults>
</compile_context>

<pallas_src>
import functools

import jax
import jax.numpy as jnp
from jax import lax
from jax.experimental import pallas as pl
from jax.experimental.pallas import tpu as pltpu
from jax.experimental.pallas import tpu_sc as plsc

_NC = 2
_NS = 16
_K = 128



@functools.lru_cache(maxsize=None)
def _edge_pass_kernel(NP, EP, HH):
    eper = EP // _NS
    steps = eper // _K
    rps = NP // _NS
    mesh = plsc.VectorSubcoreMesh(core_axis_name="c", subcore_axis_name="s",
                                  num_cores=_NC, num_subcores=_NS)

    @functools.partial(
        pl.kernel,
        out_type=jax.ShapeDtypeStruct((_NC, NP, HH), jnp.float32),
        mesh=mesh,
        scratch_types=[
            pltpu.VMEM((_K,), jnp.int32),
            pltpu.VMEM((_K,), jnp.int32),
            pltpu.VMEM((_K, HH), jnp.float32),
            pltpu.VMEM_SHARED((NP, HH), jnp.float32),
            pltpu.SemaphoreType.DMA,
        ],
    )
    def k(xp, src_flat, dst, zrows, out, idx_s, idx_d, rows, agg, sem):
        c = lax.axis_index("c")
        s = lax.axis_index("s")
        pltpu.sync_copy(zrows, agg.at[pl.ds(s * rps, rps)])
        plsc.subcore_barrier()

        @plsc.parallel_loop(0, steps)
        def _chunk(i):
            base = s * eper + i * _K
            pltpu.sync_copy(src_flat.at[pl.ds(c * EP + base, _K)], idx_s)
            pltpu.sync_copy(dst.at[pl.ds(base, _K)], idx_d)
            pltpu.async_copy(xp.at[idx_s], rows, sem).wait()
            pltpu.sync_copy(rows, agg.at[idx_d], add=True)
        plsc.subcore_barrier()
        pltpu.sync_copy(agg.at[pl.ds(s * rps, rps)],
                        out.at[c, pl.ds(s * rps, rps)])

    return k



def _bn(n):
    return 1000 if n % 1000 == 0 else n


def _dinv_of(deg_ref):
    cnt = deg_ref[0, :, 0:1]
    return lax.rsqrt(cnt + 1.0)


def _mm_split(x, w, deg2=None):
    n, f = x.shape
    h = w.shape[1]
    hh = h // 2
    bn = _bn(n)
    nb = n // bn
    scaled = deg2 is not None

    def body(*refs):
        if scaled:
            x_ref, w_ref, d_ref, o_ref = refs
        else:
            x_ref, w_ref, o_ref = refs
        acc = jnp.dot(x_ref[...], w_ref[...], preferred_element_type=jnp.float32)
        if scaled:
            acc = acc * _dinv_of(d_ref)
        o_ref[0] = acc

    in_specs = [
        pl.BlockSpec((bn, f), lambda i, j: (i, 0)),
        pl.BlockSpec((f, hh), lambda i, j: (0, j)),
    ]
    args = [x, w]
    if scaled:
        in_specs.append(pl.BlockSpec((2, bn, 128), lambda i, j: (0, i, 0)))
        args.append(deg2)
    return pl.pallas_call(
        body,
        grid=(nb, 2),
        in_specs=in_specs,
        out_specs=pl.BlockSpec((1, bn, hh), lambda i, j: (j, i, 0)),
        out_shape=jax.ShapeDtypeStruct((2, n, hh), jnp.float32),
    )(*args)


def _gcn_post(agg2, xs2, deg2, b1):
    _, n, hh = xs2.shape
    h = 2 * hh
    bn = _bn(n)
    nb = n // bn
    b1r = b1.reshape(1, h)

    def body(a_ref, x_ref, d_ref, b_ref, o_ref):
        a = jnp.concatenate([a_ref[0], a_ref[1]], axis=1)
        xs = jnp.concatenate([x_ref[0], x_ref[1]], axis=1)
        dinv = _dinv_of(d_ref)
        o_ref[...] = jnp.maximum(dinv * (a + xs) + b_ref[...], 0.0)

    return pl.pallas_call(
        body,
        grid=(nb,),
        in_specs=[
            pl.BlockSpec((2, bn, hh), lambda i: (0, i, 0)),
            pl.BlockSpec((2, bn, hh), lambda i: (0, i, 0)),
            pl.BlockSpec((2, bn, 128), lambda i: (0, i, 0)),
            pl.BlockSpec((1, h), lambda i: (0, 0)),
        ],
        out_specs=pl.BlockSpec((bn, h), lambda i: (i, 0)),
        out_shape=jax.ShapeDtypeStruct((n, h), jnp.float32),
    )(agg2, xs2, deg2, b1r)


def _gru(agg2, hprev, w_iht, w_hht, b_ih, b_hh, final_relu):
    n, h = hprev.shape
    hh = h // 2
    bn = _bn(n)
    nb = n // bn
    b_ihr = b_ih.reshape(1, 3 * h)
    b_hhr = b_hh.reshape(1, 3 * h)

    def body(a_ref, h_ref, wi_ref, wh_ref, bi_ref, bh_ref, o_ref):
        m = jnp.concatenate([a_ref[0], a_ref[1]], axis=1)
        hp = h_ref[...]
        gi = jnp.dot(m, wi_ref[...], preferred_element_type=jnp.float32) + bi_ref[...]
        gh = jnp.dot(hp, wh_ref[...], preferred_element_type=jnp.float32) + bh_ref[...]
        r = jax.nn.sigmoid(gi[:, :h] + gh[:, :h])
        z = jax.nn.sigmoid(gi[:, h:2 * h] + gh[:, h:2 * h])
        ncand = jnp.tanh(gi[:, 2 * h:] + r * gh[:, 2 * h:])
        out = (1.0 - z) * ncand + z * hp
        if final_relu:
            out = jnp.maximum(out, 0.0)
        o_ref[...] = out

    return pl.pallas_call(
        body,
        grid=(nb,),
        in_specs=[
            pl.BlockSpec((2, bn, hh), lambda i: (0, i, 0)),
            pl.BlockSpec((bn, h), lambda i: (i, 0)),
            pl.BlockSpec((h, 3 * h), lambda i: (0, 0)),
            pl.BlockSpec((h, 3 * h), lambda i: (0, 0)),
            pl.BlockSpec((1, 3 * h), lambda i: (0, 0)),
            pl.BlockSpec((1, 3 * h), lambda i: (0, 0)),
        ],
        out_specs=pl.BlockSpec((bn, h), lambda i: (i, 0)),
        out_shape=jax.ShapeDtypeStruct((n, h), jnp.float32),
    )(agg2, hprev, w_iht, w_hht, b_ihr, b_hhr)




def _ceil_to(a, m):
    return (a + m - 1) // m * m


def kernel(x, edge_index, W1, b1, Wg, W_ih, W_hh, b_ih, b_hh):
    n = x.shape[0]
    e = edge_index.shape[1]
    h = W1.shape[1]
    hh = h // 2
    np_ = _ceil_to(n, 8 * _NS)
    ep = _ceil_to(e, _K * _NS)
    pad_e = ep - e
    src = edge_index[0]
    dst = edge_index[1]
    zpad = jnp.zeros((pad_e,), jnp.int32)
    src_flat = jnp.concatenate([src, zpad, src + n, zpad])
    dst_pad = jnp.concatenate([dst, jnp.full((pad_e,), np_ - 1, jnp.int32)])
    zrows = jnp.zeros((np_ // _NS, hh), jnp.float32)
    edge_k = _edge_pass_kernel(np_, ep, hh)
    ones_tab = jnp.ones((8, hh), jnp.float32)
    zero_idx = jnp.zeros((2 * ep,), jnp.int32)
    deg2 = edge_k(ones_tab, zero_idx, dst_pad, zrows)

    def edge(x2):
        return edge_k(x2.reshape(2 * n, hh), src_flat, dst_pad, zrows)

    xs2 = _mm_split(x, W1, deg2)
    agg2 = edge(xs2)
    hcur = _gcn_post(agg2, xs2, deg2, b1)

    w_iht = W_ih.T
    w_hht = W_hh.T
    nl = Wg.shape[0]
    for i in range(nl):
        m2 = _mm_split(hcur, Wg[i])
        aggm2 = edge(m2)
        hcur = _gru(aggm2, hcur, w_iht, w_hht, b_ih, b_hh, final_relu=(i == nl - 1))
    return hcur

# --- scband reference (transcript-rebuilt; emitter-appended) ---
"""Pipeline reference for scband-gcn-31679678775618 (READ-ONLY COPY).

The authoritative reference and input builder live on the scoring server;
editing this copy changes nothing except your own understanding.
"""

import jax, jax.numpy as jnp
import numpy as np

N = 10000
E = 320000
IN_FEAT = 128
HIDDEN = 256
NUM_LAYERS = 3  # args.out_dim is used as GatedGraphConv num_layers per PyG signature


def setup_inputs(seed: int = 0):
    key = jax.random.key(seed)
    k = jax.random.split(key, 9)
    x = jax.random.normal(k[0], (N, IN_FEAT), dtype=jnp.float32)
    edge_index = jax.random.randint(k[1], (2, E), 0, N, dtype=jnp.int32)
    W1 = jax.random.normal(k[2], (IN_FEAT, HIDDEN), dtype=jnp.float32) / np.sqrt(IN_FEAT)
    b1 = jnp.zeros((HIDDEN,), dtype=jnp.float32)
    Wg = jax.random.normal(k[3], (NUM_LAYERS, HIDDEN, HIDDEN), dtype=jnp.float32) / np.sqrt(HIDDEN)
    W_ih = jax.random.normal(k[4], (3 * HIDDEN, HIDDEN), dtype=jnp.float32) / np.sqrt(HIDDEN)
    W_hh = jax.random.normal(k[5], (3 * HIDDEN, HIDDEN), dtype=jnp.float32) / np.sqrt(HIDDEN)
    b_ih = jnp.zeros((3 * HIDDEN,), dtype=jnp.float32)
    b_hh = jnp.zeros((3 * HIDDEN,), dtype=jnp.float32)
    return {"x": x, "edge_index": edge_index, "W1": W1, "b1": b1, "Wg": Wg,
            "W_ih": W_ih, "W_hh": W_hh, "b_ih": b_ih, "b_hh": b_hh}


def _gcn_conv(x, edge_index, W, b):
    # PyG GCNConv: add self-loops, symmetric normalization, then scatter-add
    n = x.shape[0]
    src = edge_index[0]
    dst = edge_index[1]
    loop = jnp.arange(n, dtype=edge_index.dtype)
    src = jnp.concatenate([src, loop])
    dst = jnp.concatenate([dst, loop])
    w = jnp.ones(src.shape[0], dtype=x.dtype)
    deg = jnp.zeros((n,), dtype=x.dtype).at[dst].add(w)
    dinv = jnp.where(deg > 0, deg ** -0.5, 0.0)
    norm = dinv[src] * dinv[dst]
    xw = x @ W
    msg = xw[src] * norm[:, None]
    out = jnp.zeros((n, W.shape[1]), dtype=x.dtype).at[dst].add(msg)
    return out + b


def _gru_cell(m, h, W_ih, W_hh, b_ih, b_hh):
    gi = m @ W_ih.T + b_ih
    gh = h @ W_hh.T + b_hh
    i_r, i_z, i_n = jnp.split(gi, 3, axis=1)
    h_r, h_z, h_n = jnp.split(gh, 3, axis=1)
    r = jax.nn.sigmoid(i_r + h_r)
    z = jax.nn.sigmoid(i_z + h_z)
    ncand = jnp.tanh(i_n + r * h_n)
    return (1.0 - z) * ncand + z * h


def _gated_graph_conv(h, edge_index, Wg, W_ih, W_hh, b_ih, b_hh):
    n = h.shape[0]
    src = edge_index[0]
    dst = edge_index[1]
    for i in range(Wg.shape[0]):
        m = h @ Wg[i]
        agg = jnp.zeros((n, m.shape[1]), dtype=h.dtype).at[dst].add(m[src])
        h = _gru_cell(agg, h, W_ih, W_hh, b_ih, b_hh)
    return h


def reference(x, edge_index, W1, b1, Wg, W_ih, W_hh, b_ih, b_hh):
    h = _gcn_conv(x, edge_index, W1, b1)
    h = jax.nn.relu(h)
    h = _gated_graph_conv(h, edge_index, Wg, W_ih, W_hh, b_ih, b_hh)
    h = jax.nn.relu(h)
    return h

if __name__ == "__main__":
    import jax
    _d = setup_inputs()
    print(jax.jit(kernel)(*tuple(_d.values())))

</pallas_src>

<mosaic_0001>
#map = affine_map<(d0, d1) -> (0, 0)>
#map1 = affine_map<(d0, d1) -> (0)>
#map2 = affine_map<(d0, d1) -> (0, 0, 0)>
module attributes {stable_mosaic.version = 14 : i64} {
  func.func @k(%arg0: i32, %arg1: i32, %arg2: memref<20000x128xf32, #tpu.memory_space<hbm>>, %arg3: memref<643072xi32, #tpu.memory_space<hbm>>, %arg4: memref<321536xi32, #tpu.memory_space<hbm>>, %arg5: memref<632x128xf32, #tpu.memory_space<hbm>>, %arg6: memref<2x10112x128xf32, #tpu.memory_space<hbm>>, %arg7: memref<128xi32, #tpu.memory_space<vmem>>, %arg8: memref<128xi32, #tpu.memory_space<vmem>>, %arg9: memref<128x128xf32, #tpu.memory_space<vmem>>, %arg10: memref<10112x128xf32, #tpu.memory_space<vmem_shared>>, %arg11: memref<!tpu.dma_semaphore, #tpu.memory_space<semaphore_mem>>) attributes {dimension_semantics = [#tpu.dimension_semantics<core_parallel>, #tpu.dimension_semantics<subcore_parallel>], iteration_bounds = array<i64: 2, 16>, scalar_prefetch = 0 : i64, scratch_operands = 5 : i64, tpu.core_type = #tpu.core_type<sc_vector_subcore>, window_params = [{transform_indices = #map}, {transform_indices = #map1}, {transform_indices = #map1}, {transform_indices = #map}, {transform_indices = #map2}]} {
    %mul3A = arith.constant 632 : i32
    %mul3A_0 = arith.muli %arg1, %mul3A : i32
    "tpu.region"() ({
      %run_scoped3A = tpu.sem_alloc : memref<!tpu.dma_semaphore, #tpu.memory_space<semaphore_mem>>
      %dma_start3A = arith.constant 0 : i32
      %dma_start3A_8 = tpu.memref_slice %arg10[%mul3A_0, %dma_start3A] : memref<10112x128xf32, #tpu.memory_space<vmem_shared>> -> memref<632x128xf32, #tpu.memory_space<vmem_shared>>
      tpu.enqueue_dma source(%arg5 : memref<632x128xf32, #tpu.memory_space<hbm>>) target(%dma_start3A_8 : memref<632x128xf32, #tpu.memory_space<vmem_shared>>) target_semaphore(%run_scoped3A : memref<!tpu.dma_semaphore, #tpu.memory_space<semaphore_mem>>)
      %dma_wait3A = arith.constant 0 : i32
      %dma_wait3A_9 = tpu.memref_slice %arg10[%mul3A_0, %dma_wait3A] : memref<10112x128xf32, #tpu.memory_space<vmem_shared>> -> memref<632x128xf32, #tpu.memory_space<vmem_shared>>
      tpu.wait_dma2 semaphore(%run_scoped3A : memref<!tpu.dma_semaphore, #tpu.memory_space<semaphore_mem>>) src(%arg5 : memref<632x128xf32, #tpu.memory_space<hbm>>) dst(%dma_wait3A_9 : memref<632x128xf32, #tpu.memory_space<vmem_shared>>)
      tpu.yield
    }) : () -> ()
    %barrier3A = arith.constant 0 : index
    tpu.barrier barrier_id(%barrier3A)
    %parallel_loop3A = arith.constant 0 : i32
    %parallel_loop3A_1 = arith.constant 157 : i32
    %parallel_loop3A_2 = arith.constant 1 : i32
    scf.for %parallel_loop3A_8 = %parallel_loop3A to %parallel_loop3A_1 step %parallel_loop3A_2  : i32 {
      %parallel_loop3A_9 = arith.constant 20096 : i32
      %parallel_loop3A_10 = arith.muli %arg1, %parallel_loop3A_9 : i32
      %parallel_loop3A_11 = arith.constant 128 : i32
      %parallel_loop3A_12 = arith.muli %parallel_loop3A_8, %parallel_loop3A_11 : i32
      %parallel_loop3A_13 = arith.addi %parallel_loop3A_10, %parallel_loop3A_12 : i32
      %parallel_loop3A_14 = arith.constant 321536 : i32
      %parallel_loop3A_15 = arith.muli %arg0, %parallel_loop3A_14 : i32
      %parallel_loop3A_16 = arith.addi %parallel_loop3A_15, %parallel_loop3A_13 : i32
      "tpu.region"() ({
        %parallel_loop3A_23 = tpu.sem_alloc : memref<!tpu.dma_semaphore, #tpu.memory_space<semaphore_mem>>
        %parallel_loop3A_24 = tpu.memref_slice %arg3[%parallel_loop3A_16] : memref<643072xi32, #tpu.memory_space<hbm>> -> memref<128xi32, #tpu.memory_space<hbm>>
        %parallel_loop3A_25 = tpu.memref_slice %arg3[%parallel_loop3A_16] : memref<643072xi32, #tpu.memory_space<hbm>> -> memref<128xi32, #tpu.memory_space<hbm>>
        tpu.enqueue_dma source(%parallel_loop3A_25 : memref<128xi32, #tpu.memory_space<hbm>>) target(%arg7 : memref<128xi32, #tpu.memory_space<vmem>>) target_semaphore(%parallel_loop3A_23 : memref<!tpu.dma_semaphore, #tpu.memory_space<semaphore_mem>>)
        %parallel_loop3A_26 = tpu.memref_slice %arg3[%parallel_loop3A_16] : memref<643072xi32, #tpu.memory_space<hbm>> -> memref<128xi32, #tpu.memory_space<hbm>>
        %parallel_loop3A_27 = tpu.memref_slice %arg3[%parallel_loop3A_16] : memref<643072xi32, #tpu.memory_space<hbm>> -> memref<128xi32, #tpu.memory_space<hbm>>
        tpu.wait_dma2 semaphore(%parallel_loop3A_23 : memref<!tpu.dma_semaphore, #tpu.memory_space<semaphore_mem>>) src(%parallel_loop3A_27 : memref<128xi32, #tpu.memory_space<hbm>>) dst(%arg7 : memref<128xi32, #tpu.memory_space<vmem>>)
        tpu.yield
      }) : () -> ()
      "tpu.region"() ({
        %parallel_loop3A_23 = tpu.sem_alloc : memref<!tpu.dma_semaphore, #tpu.memory_space<semaphore_mem>>
        %parallel_loop3A_24 = tpu.memref_slice %arg4[%parallel_loop3A_13] : memref<321536xi32, #tpu.memory_space<hbm>> -> memref<128xi32, #tpu.memory_space<hbm>>
        %parallel_loop3A_25 = tpu.memref_slice %arg4[%parallel_loop3A_13] : memref<321536xi32, #tpu.memory_space<hbm>> -> memref<128xi32, #tpu.memory_space<hbm>>
        tpu.enqueue_dma source(%parallel_loop3A_25 : memref<128xi32, #tpu.memory_space<hbm>>) target(%arg8 : memref<128xi32, #tpu.memory_space<vmem>>) target_semaphore(%parallel_loop3A_23 : memref<!tpu.dma_semaphore, #tpu.memory_space<semaphore_mem>>)
        %parallel_loop3A_26 = tpu.memref_slice %arg4[%parallel_loop3A_13] : memref<321536xi32, #tpu.memory_space<hbm>> -> memref<128xi32, #tpu.memory_space<hbm>>
        %parallel_loop3A_27 = tpu.memref_slice %arg4[%parallel_loop3A_13] : memref<321536xi32, #tpu.memory_space<hbm>> -> memref<128xi32, #tpu.memory_space<hbm>>
        tpu.wait_dma2 semaphore(%parallel_loop3A_23 : memref<!tpu.dma_semaphore, #tpu.memory_space<semaphore_mem>>) src(%parallel_loop3A_27 : memref<128xi32, #tpu.memory_space<hbm>>) dst(%arg8 : memref<128xi32, #tpu.memory_space<vmem>>)
        tpu.yield
      }) : () -> ()
      %parallel_loop3A_17 = arith.constant 0 : i32
      %parallel_loop3A_18 = arith.constant 0 : i32
      %parallel_loop3A_19 = tpu.memref_slice %arg2[%parallel_loop3A_17, %parallel_loop3A_18] : memref<20000x128xf32, #tpu.memory_space<hbm>> -> memref<20000x128xf32, #tpu.memory_space<hbm>>
      tpu.enqueue_indirect_dma source(%parallel_loop3A_19 : memref<20000x128xf32, #tpu.memory_space<hbm>>) target(%arg9 : memref<128x128xf32, #tpu.memory_space<vmem>>) offsets(%arg7 : memref<128xi32, #tpu.memory_space<vmem>>) semaphore(%arg11 : memref<!tpu.dma_semaphore, #tpu.memory_space<semaphore_mem>>)
      %parallel_loop3A_20 = arith.constant 0 : i32
      %parallel_loop3A_21 = arith.constant 0 : i32
      %parallel_loop3A_22 = tpu.memref_slice %arg2[%parallel_loop3A_20, %parallel_loop3A_21] : memref<20000x128xf32, #tpu.memory_space<hbm>> -> memref<20000x128xf32, #tpu.memory_space<hbm>>
      tpu.wait_indirect_dma semaphore(%arg11 : memref<!tpu.dma_semaphore, #tpu.memory_space<semaphore_mem>>) src(%parallel_loop3A_22 : memref<20000x128xf32, #tpu.memory_space<hbm>>) dst(%arg9 : memref<128x128xf32, #tpu.memory_space<vmem>>)
      "tpu.region"() ({
        %parallel_loop3A_23 = tpu.sem_alloc : memref<!tpu.dma_semaphore, #tpu.memory_space<semaphore_mem>>
        %parallel_loop3A_24 = arith.constant 0 : i32
        %parallel_loop3A_25 = arith.constant 0 : i32
        %parallel_loop3A_26 = tpu.memref_slice %arg10[%parallel_loop3A_24, %parallel_loop3A_25] : memref<10112x128xf32, #tpu.memory_space<vmem_shared>> -> memref<10112x128xf32, #tpu.memory_space<vmem_shared>>
        tpu.enqueue_indirect_dma source(%arg9 : memref<128x128xf32, #tpu.memory_space<vmem>>) target(%parallel_loop3A_26 : memref<10112x128xf32, #tpu.memory_space<vmem_shared>>) offsets(%arg8 : memref<128xi32, #tpu.memory_space<vmem>>) semaphore(%parallel_loop3A_23 : memref<!tpu.dma_semaphore, #tpu.memory_space<semaphore_mem>>) {add = true}
        %parallel_loop3A_27 = arith.constant 0 : i32
        %parallel_loop3A_28 = arith.constant 0 : i32
        %parallel_loop3A_29 = tpu.memref_slice %arg10[%parallel_loop3A_27, %parallel_loop3A_28] : memref<10112x128xf32, #tpu.memory_space<vmem_shared>> -> memref<10112x128xf32, #tpu.memory_space<vmem_shared>>
        tpu.wait_indirect_dma semaphore(%parallel_loop3A_23 : memref<!tpu.dma_semaphore, #tpu.memory_space<semaphore_mem>>) src(%arg9 : memref<128x128xf32, #tpu.memory_space<vmem>>) dst(%parallel_loop3A_29 : memref<10112x128xf32, #tpu.memory_space<vmem_shared>>)
        tpu.yield
      }) : () -> ()
    } {sc.loop_unroll_factor = 1 : i64, sc.parallel_access}
    %barrier3A_3 = arith.constant 0 : index
    tpu.barrier barrier_id(%barrier3A_3)
    %mul3A_4 = arith.constant 632 : i32
    %mul3A_5 = arith.muli %arg1, %mul3A_4 : i32
    %mul3A_6 = arith.constant 632 : i32
    %mul3A_7 = arith.muli %arg1, %mul3A_6 : i32
    "tpu.region"() ({
      %run_scoped3A = tpu.sem_alloc : memref<!tpu.dma_semaphore, #tpu.memory_space<semaphore_mem>>
      %dma_start3A = arith.constant 0 : i32
      %dma_start3A_8 = tpu.memref_slice %arg6[%arg0, %mul3A_7, %dma_start3A] : memref<2x10112x128xf32, #tpu.memory_space<hbm>> -> memref<1x632x128xf32, #tpu.memory_space<hbm>>
      %dma_start3A_9 = tpu.memref_squeeze %dma_start3A_8 : memref<1x632x128xf32, #tpu.memory_space<hbm>> -> memref<632x128xf32, #tpu.memory_space<hbm>>
      %dma_start3A_10 = arith.constant 0 : i32
      %dma_start3A_11 = tpu.memref_slice %arg10[%mul3A_5, %dma_start3A_10] : memref<10112x128xf32, #tpu.memory_space<vmem_shared>> -> memref<632x128xf32, #tpu.memory_space<vmem_shared>>
      tpu.enqueue_dma source(%dma_start3A_11 : memref<632x128xf32, #tpu.memory_space<vmem_shared>>) target(%dma_start3A_9 : memref<632x128xf32, #tpu.memory_space<hbm>>) target_semaphore(%run_scoped3A : memref<!tpu.dma_semaphore, #tpu.memory_space<semaphore_mem>>)
      %dma_wait3A = arith.constant 0 : i32
      %dma_wait3A_12 = tpu.memref_slice %arg6[%arg0, %mul3A_7, %dma_wait3A] : memref<2x10112x128xf32, #tpu.memory_space<hbm>> -> memref<1x632x128xf32, #tpu.memory_space<hbm>>
      %dma_wait3A_13 = tpu.memref_squeeze %dma_wait3A_12 : memref<1x632x128xf32, #tpu.memory_space<hbm>> -> memref<632x128xf32, #tpu.memory_space<hbm>>
      %dma_wait3A_14 = arith.constant 0 : i32
      %dma_wait3A_15 = tpu.memref_slice %arg10[%mul3A_5, %dma_wait3A_14] : memref<10112x128xf32, #tpu.memory_space<vmem_shared>> -> memref<632x128xf32, #tpu.memory_space<vmem_shared>>
      tpu.wait_dma2 semaphore(%run_scoped3A : memref<!tpu.dma_semaphore, #tpu.memory_space<semaphore_mem>>) src(%dma_wait3A_15 : memref<632x128xf32, #tpu.memory_space<vmem_shared>>) dst(%dma_wait3A_13 : memref<632x128xf32, #tpu.memory_space<hbm>>)
      tpu.yield
    }) : () -> ()
    return
  }
}

#map = affine_map<(d0, d1) -> (0, 0)>
#map1 = affine_map<(d0, d1) -> (0)>
#map2 = affine_map<(d0, d1) -> (0, 0, 0)>
module attributes {stable_mosaic.version = 14 : i64} {
  func.func @k(%arg0: i32, %arg1: i32, %arg2: memref<20000x128xf32, #tpu.memory_space<hbm>>, %arg3: memref<643072xi32, #tpu.memory_space<hbm>>, %arg4: memref<321536xi32, #tpu.memory_space<hbm>>, %arg5: memref<632x128xf32, #tpu.memory_space<hbm>>, %arg6: memref<2x10112x128xf32, #tpu.memory_space<hbm>>, %arg7: memref<128xi32, #tpu.memory_space<vmem>>, %arg8: memref<128xi32, #tpu.memory_space<vmem>>, %arg9: memref<128x128xf32, #tpu.memory_space<vmem>>, %arg10: memref<10112x128xf32, #tpu.memory_space<vmem_shared>>, %arg11: memref<!tpu.dma_semaphore, #tpu.memory_space<semaphore_mem>>) attributes {dimension_semantics = [#tpu.dimension_semantics<core_parallel>, #tpu.dimension_semantics<subcore_parallel>], iteration_bounds = array<i64: 2, 16>, scalar_prefetch = 0 : i64, scratch_operands = 5 : i64, tpu.core_type = #tpu.core_type<sc_vector_subcore>, window_params = [{transform_indices = #map}, {transform_indices = #map1}, {transform_indices = #map1}, {transform_indices = #map}, {transform_indices = #map2}]} {
    %mul3A = arith.constant 632 : i32
    %mul3A_0 = arith.muli %arg1, %mul3A : i32
    "tpu.region"() ({
      %run_scoped3A = tpu.sem_alloc : memref<!tpu.dma_semaphore, #tpu.memory_space<semaphore_mem>>
      %dma_start3A = arith.constant 0 : i32
      %dma_start3A_8 = tpu.memref_slice %arg10[%mul3A_0, %dma_start3A] : memref<10112x128xf32, #tpu.memory_space<vmem_shared>> -> memref<632x128xf32, #tpu.memory_space<vmem_shared>>
      tpu.enqueue_dma source(%arg5 : memref<632x128xf32, #tpu.memory_space<hbm>>) target(%dma_start3A_8 : memref<632x128xf32, #tpu.memory_space<vmem_shared>>) target_semaphore(%run_scoped3A : memref<!tpu.dma_semaphore, #tpu.memory_space<semaphore_mem>>)
      %dma_wait3A = arith.constant 0 : i32
      %dma_wait3A_9 = tpu.memref_slice %arg10[%mul3A_0, %dma_wait3A] : memref<10112x128xf32, #tpu.memory_space<vmem_shared>> -> memref<632x128xf32, #tpu.memory_space<vmem_shared>>
      tpu.wait_dma2 semaphore(%run_scoped3A : memref<!tpu.dma_semaphore, #tpu.memory_space<semaphore_mem>>) src(%arg5 : memref<632x128xf32, #tpu.memory_space<hbm>>) dst(%dma_wait3A_9 : memref<632x128xf32, #tpu.memory_space<vmem_shared>>)
      tpu.yield
    }) : () -> ()
    %barrier3A = arith.constant 0 : index
    tpu.barrier barrier_id(%barrier3A)
    %parallel_loop3A = arith.constant 0 : i32
    %parallel_loop3A_1 = arith.constant 157 : i32
    %parallel_loop3A_2 = arith.constant 1 : i32
    scf.for %parallel_loop3A_8 = %parallel_loop3A to %parallel_loop3A_1 step %parallel_loop3A_2  : i32 {
      %parallel_loop3A_9 = arith.constant 20096 : i32
      %parallel_loop3A_10 = arith.muli %arg1, %parallel_loop3A_9 : i32
      %parallel_loop3A_11 = arith.constant 128 : i32
      %parallel_loop3A_12 = arith.muli %parallel_loop3A_8, %parallel_loop3A_11 : i32
      %parallel_loop3A_13 = arith.addi %parallel_loop3A_10, %parallel_loop3A_12 : i32
      %parallel_loop3A_14 = arith.constant 321536 : i32
      %parallel_loop3A_15 = arith.muli %arg0, %parallel_loop3A_14 : i32
      %parallel_loop3A_16 = arith.addi %parallel_loop3A_15, %parallel_loop3A_13 : i32
      "tpu.region"() ({
        %parallel_loop3A_23 = tpu.sem_alloc : memref<!tpu.dma_semaphore, #tpu.memory_space<semaphore_mem>>
        %parallel_loop3A_24 = tpu.memref_slice %arg3[%parallel_loop3A_16] : memref<643072xi32, #tpu.memory_space<hbm>> -> memref<128xi32, #tpu.memory_space<hbm>>
        %parallel_loop3A_25 = tpu.memref_slice %arg3[%parallel_loop3A_16] : memref<643072xi32, #tpu.memory_space<hbm>> -> memref<128xi32, #tpu.memory_space<hbm>>
        tpu.enqueue_dma source(%parallel_loop3A_25 : memref<128xi32, #tpu.memory_space<hbm>>) target(%arg7 : memref<128xi32, #tpu.memory_space<vmem>>) target_semaphore(%parallel_loop3A_23 : memref<!tpu.dma_semaphore, #tpu.memory_space<semaphore_mem>>)
        %parallel_loop3A_26 = tpu.memref_slice %arg3[%parallel_loop3A_16] : memref<643072xi32, #tpu.memory_space<hbm>> -> memref<128xi32, #tpu.memory_space<hbm>>
        %parallel_loop3A_27 = tpu.memref_slice %arg3[%parallel_loop3A_16] : memref<643072xi32, #tpu.memory_space<hbm>> -> memref<128xi32, #tpu.memory_space<hbm>>
        tpu.wait_dma2 semaphore(%parallel_loop3A_23 : memref<!tpu.dma_semaphore, #tpu.memory_space<semaphore_mem>>) src(%parallel_loop3A_27 : memref<128xi32, #tpu.memory_space<hbm>>) dst(%arg7 : memref<128xi32, #tpu.memory_space<vmem>>)
        tpu.yield
      }) : () -> ()
      "tpu.region"() ({
        %parallel_loop3A_23 = tpu.sem_alloc : memref<!tpu.dma_semaphore, #tpu.memory_space<semaphore_mem>>
        %parallel_loop3A_24 = tpu.memref_slice %arg4[%parallel_loop3A_13] : memref<321536xi32, #tpu.memory_space<hbm>> -> memref<128xi32, #tpu.memory_space<hbm>>
        %parallel_loop3A_25 = tpu.memref_slice %arg4[%parallel_loop3A_13] : memref<321536xi32, #tpu.memory_space<hbm>> -> memref<128xi32, #tpu.memory_space<hbm>>
        tpu.enqueue_dma source(%parallel_loop3A_25 : memref<128xi32, #tpu.memory_space<hbm>>) target(%arg8 : memref<128xi32, #tpu.memory_space<vmem>>) target_semaphore(%parallel_loop3A_23 : memref<!tpu.dma_semaphore, #tpu.memory_space<semaphore_mem>>)
        %parallel_loop3A_26 = tpu.memref_slice %arg4[%parallel_loop3A_13] : memref<321536xi32, #tpu.memory_space<hbm>> -> memref<128xi32, #tpu.memory_space<hbm>>
        %parallel_loop3A_27 = tpu.memref_slice %arg4[%parallel_loop3A_13] : memref<321536xi32, #tpu.memory_space<hbm>> -> memref<128xi32, #tpu.memory_space<hbm>>
        tpu.wait_dma2 semaphore(%parallel_loop3A_23 : memref<!tpu.dma_semaphore, #tpu.memory_space<semaphore_mem>>) src(%parallel_loop3A_27 : memref<128xi32, #tpu.memory_space<hbm>>) dst(%arg8 : memref<128xi32, #tpu.memory_space<vmem>>)
        tpu.yield
      }) : () -> ()
      %parallel_loop3A_17 = arith.constant 0 : i32
      %parallel_loop3A_18 = arith.constant 0 : i32
      %parallel_loop3A_19 = tpu.memref_slice %arg2[%parallel_loop3A_17, %parallel_loop3A_18] : memref<20000x128xf32, #tpu.memory_space<hbm>> -> memref<20000x128xf32, #tpu.memory_space<hbm>>
      tpu.enqueue_indirect_dma source(%parallel_loop3A_19 : memref<20000x128xf32, #tpu.memory_space<hbm>>) target(%arg9 : memref<128x128xf32, #tpu.memory_space<vmem>>) offsets(%arg7 : memref<128xi32, #tpu.memory_space<vmem>>) semaphore(%arg11 : memref<!tpu.dma_semaphore, #tpu.memory_space<semaphore_mem>>)
      %parallel_loop3A_20 = arith.constant 0 : i32
      %parallel_loop3A_21 = arith.constant 0 : i32
      %parallel_loop3A_22 = tpu.memref_slice %arg2[%parallel_loop3A_20, %parallel_loop3A_21] : memref<20000x128xf32, #tpu.memory_space<hbm>> -> memref<20000x128xf32, #tpu.memory_space<hbm>>
      tpu.wait_indirect_dma semaphore(%arg11 : memref<!tpu.dma_semaphore, #tpu.memory_space<semaphore_mem>>) src(%parallel_loop3A_22 : memref<20000x128xf32, #tpu.memory_space<hbm>>) dst(%arg9 : memref<128x128xf32, #tpu.memory_space<vmem>>)
      "tpu.region"() ({
        %parallel_loop3A_23 = tpu.sem_alloc : memref<!tpu.dma_semaphore, #tpu.memory_space<semaphore_mem>>
        %parallel_loop3A_24 = arith.constant 0 : i32
        %parallel_loop3A_25 = arith.constant 0 : i32
        %parallel_loop3A_26 = tpu.memref_slice %arg10[%parallel_loop3A_24, %parallel_loop3A_25] : memref<10112x128xf32, #tpu.memory_space<vmem_shared>> -> memref<10112x128xf32, #tpu.memory_space<vmem_shared>>
        tpu.enqueue_indirect_dma source(%arg9 : memref<128x128xf32, #tpu.memory_space<vmem>>) target(%parallel_loop3A_26 : memref<10112x128xf32, #tpu.memory_space<vmem_shared>>) offsets(%arg8 : memref<128xi32, #tpu.memory_space<vmem>>) semaphore(%parallel_loop3A_23 : memref<!tpu.dma_semaphore, #tpu.memory_space<semaphore_mem>>) {add = true}
        %parallel_loop3A_27 = arith.constant 0 : i32
        %parallel_loop3A_28 = arith.constant 0 : i32
        %parallel_loop3A_29 = tpu.memref_slice %arg10[%parallel_loop3A_27, %parallel_loop3A_28] : memref<10112x128xf32, #tpu.memory_space<vmem_shared>> -> memref<10112x128xf32, #tpu.memory_space<vmem_shared>>
        tpu.wait_indirect_dma semaphore(%parallel_loop3A_23 : memref<!tpu.dma_semaphore, #tpu.memory_space<semaphore_mem>>) src(%arg9 : memref<128x128xf32, #tpu.memory_space<vmem>>) dst(%parallel_loop3A_29 : memref<10112x128xf32, #tpu.memory_space<vmem_shared>>)
        tpu.yield
      }) : () -> ()
    } {sc.loop_unroll_factor = 1 : i64, sc.parallel_access}
    %barrier3A_3 = arith.constant 0 : index
    tpu.barrier barrier_id(%barrier3A_3)
    %mul3A_4 = arith.constant 632 : i32
    %mul3A_5 = arith.muli %arg1, %mul3A_4 : i32
    %mul3A_6 = arith.constant 632 : i32
    %mul3A_7 = arith.muli %arg1, %mul3A_6 : i32
    "tpu.region"() ({
      %run_scoped3A = tpu.sem_alloc : memref<!tpu.dma_semaphore, #tpu.memory_space<semaphore_mem>>
      %dma_start3A = arith.constant 0 : i32
      %dma_start3A_8 = tpu.memref_slice %arg6[%arg0, %mul3A_7, %dma_start3A] : memref<2x10112x128xf32, #tpu.memory_space<hbm>> -> memref<1x632x128xf32, #tpu.memory_space<hbm>>
      %dma_start3A_9 = tpu.memref_squeeze %dma_start3A_8 : memref<1x632x128xf32, #tpu.memory_space<hbm>> -> memref<632x128xf32, #tpu.memory_space<hbm>>
      %dma_start3A_10 = arith.constant 0 : i32
      %dma_start3A_11 = tpu.memref_slice %arg10[%mul3A_5, %dma_start3A_10] : memref<10112x128xf32, #tpu.memory_space<vmem_shared>> -> memref<632x128xf32, #tpu.memory_space<vmem_shared>>
      tpu.enqueue_dma source(%dma_start3A_11 : memref<632x128xf32, #tpu.memory_space<vmem_shared>>) target(%dma_start3A_9 : memref<632x128xf32, #tpu.memory_space<hbm>>) target_semaphore(%run_scoped3A : memref<!tpu.dma_semaphore, #tpu.memory_space<semaphore_mem>>)
      %dma_wait3A = arith.constant 0 : i32
      %dma_wait3A_12 = tpu.memref_slice %arg6[%arg0, %mul3A_7, %dma_wait3A] : memref<2x10112x128xf32, #tpu.memory_space<hbm>> -> memref<1x632x128xf32, #tpu.memory_space<hbm>>
      %dma_wait3A_13 = tpu.memref_squeeze %dma_wait3A_12 : memref<1x632x128xf32, #tpu.memory_space<hbm>> -> memref<632x128xf32, #tpu.memory_space<hbm>>
      %dma_wait3A_14 = arith.constant 0 : i32
      %dma_wait3A_15 = tpu.memref_slice %arg10[%mul3A_5, %dma_wait3A_14] : memref<10112x128xf32, #tpu.memory_space<vmem_shared>> -> memref<632x128xf32, #tpu.memory_space<vmem_shared>>
      tpu.wait_dma2 semaphore(%run_scoped3A : memref<!tpu.dma_semaphore, #tpu.memory_space<semaphore_mem>>) src(%dma_wait3A_15 : memref<632x128xf32, #tpu.memory_space<vmem_shared>>) dst(%dma_wait3A_13 : memref<632x128xf32, #tpu.memory_space<hbm>>)
      tpu.yield
    }) : () -> ()
    return
  }
}

#map = affine_map<(d0, d1) -> (0, 0)>
#map1 = affine_map<(d0, d1) -> (0)>
#map2 = affine_map<(d0, d1) -> (0, 0, 0)>
module attributes {stable_mosaic.version = 14 : i64} {
  func.func @k(%arg0: i32, %arg1: i32, %arg2: memref<8x128xf32, #tpu.memory_space<hbm>>, %arg3: memref<643072xi32, #tpu.memory_space<hbm>>, %arg4: memref<321536xi32, #tpu.memory_space<hbm>>, %arg5: memref<632x128xf32, #tpu.memory_space<hbm>>, %arg6: memref<2x10112x128xf32, #tpu.memory_space<hbm>>, %arg7: memref<128xi32, #tpu.memory_space<vmem>>, %arg8: memref<128xi32, #tpu.memory_space<vmem>>, %arg9: memref<128x128xf32, #tpu.memory_space<vmem>>, %arg10: memref<10112x128xf32, #tpu.memory_space<vmem_shared>>, %arg11: memref<!tpu.dma_semaphore, #tpu.memory_space<semaphore_mem>>) attributes {dimension_semantics = [#tpu.dimension_semantics<core_parallel>, #tpu.dimension_semantics<subcore_parallel>], iteration_bounds = array<i64: 2, 16>, scalar_prefetch = 0 : i64, scratch_operands = 5 : i64, tpu.core_type = #tpu.core_type<sc_vector_subcore>, window_params = [{transform_indices = #map}, {transform_indices = #map1}, {transform_indices = #map1}, {transform_indices = #map}, {transform_indices = #map2}]} {
    %mul3A = arith.constant 632 : i32
    %mul3A_0 = arith.muli %arg1, %mul3A : i32
    "tpu.region"() ({
      %run_scoped3A = tpu.sem_alloc : memref<!tpu.dma_semaphore, #tpu.memory_space<semaphore_mem>>
      %dma_start3A = arith.constant 0 : i32
      %dma_start3A_8 = tpu.memref_slice %arg10[%mul3A_0, %dma_start3A] : memref<10112x128xf32, #tpu.memory_space<vmem_shared>> -> memref<632x128xf32, #tpu.memory_space<vmem_shared>>
      tpu.enqueue_dma source(%arg5 : memref<632x128xf32, #tpu.memory_space<hbm>>) target(%dma_start3A_8 : memref<632x128xf32, #tpu.memory_space<vmem_shared>>) target_semaphore(%run_scoped3A : memref<!tpu.dma_semaphore, #tpu.memory_space<semaphore_mem>>)
      %dma_wait3A = arith.constant 0 : i32
      %dma_wait3A_9 = tpu.memref_slice %arg10[%mul3A_0, %dma_wait3A] : memref<10112x128xf32, #tpu.memory_space<vmem_shared>> -> memref<632x128xf32, #tpu.memory_space<vmem_shared>>
      tpu.wait_dma2 semaphore(%run_scoped3A : memref<!tpu.dma_semaphore, #tpu.memory_space<semaphore_mem>>) src(%arg5 : memref<632x128xf32, #tpu.memory_space<hbm>>) dst(%dma_wait3A_9 : memref<632x128xf32, #tpu.memory_space<vmem_shared>>)
      tpu.yield
    }) : () -> ()
    %barrier3A = arith.constant 0 : index
    tpu.barrier barrier_id(%barrier3A)
    %parallel_loop3A = arith.constant 0 : i32
    %parallel_loop3A_1 = arith.constant 157 : i32
    %parallel_loop3A_2 = arith.constant 1 : i32
    scf.for %parallel_loop3A_8 = %parallel_loop3A to %parallel_loop3A_1 step %parallel_loop3A_2  : i32 {
      %parallel_loop3A_9 = arith.constant 20096 : i32
      %parallel_loop3A_10 = arith.muli %arg1, %parallel_loop3A_9 : i32
      %parallel_loop3A_11 = arith.constant 128 : i32
      %parallel_loop3A_12 = arith.muli %parallel_loop3A_8, %parallel_loop3A_11 : i32
      %parallel_loop3A_13 = arith.addi %parallel_loop3A_10, %parallel_loop3A_12 : i32
      %parallel_loop3A_14 = arith.constant 321536 : i32
      %parallel_loop3A_15 = arith.muli %arg0, %parallel_loop3A_14 : i32
      %parallel_loop3A_16 = arith.addi %parallel_loop3A_15, %parallel_loop3A_13 : i32
      "tpu.region"() ({
        %parallel_loop3A_23 = tpu.sem_alloc : memref<!tpu.dma_semaphore, #tpu.memory_space<semaphore_mem>>
        %parallel_loop3A_24 = tpu.memref_slice %arg3[%parallel_loop3A_16] : memref<643072xi32, #tpu.memory_space<hbm>> -> memref<128xi32, #tpu.memory_space<hbm>>
        %parallel_loop3A_25 = tpu.memref_slice %arg3[%parallel_loop3A_16] : memref<643072xi32, #tpu.memory_space<hbm>> -> memref<128xi32, #tpu.memory_space<hbm>>
        tpu.enqueue_dma source(%parallel_loop3A_25 : memref<128xi32, #tpu.memory_space<hbm>>) target(%arg7 : memref<128xi32, #tpu.memory_space<vmem>>) target_semaphore(%parallel_loop3A_23 : memref<!tpu.dma_semaphore, #tpu.memory_space<semaphore_mem>>)
        %parallel_loop3A_26 = tpu.memref_slice %arg3[%parallel_loop3A_16] : memref<643072xi32, #tpu.memory_space<hbm>> -> memref<128xi32, #tpu.memory_space<hbm>>
        %parallel_loop3A_27 = tpu.memref_slice %arg3[%parallel_loop3A_16] : memref<643072xi32, #tpu.memory_space<hbm>> -> memref<128xi32, #tpu.memory_space<hbm>>
        tpu.wait_dma2 semaphore(%parallel_loop3A_23 : memref<!tpu.dma_semaphore, #tpu.memory_space<semaphore_mem>>) src(%parallel_loop3A_27 : memref<128xi32, #tpu.memory_space<hbm>>) dst(%arg7 : memref<128xi32, #tpu.memory_space<vmem>>)
        tpu.yield
      }) : () -> ()
      "tpu.region"() ({
        %parallel_loop3A_23 = tpu.sem_alloc : memref<!tpu.dma_semaphore, #tpu.memory_space<semaphore_mem>>
        %parallel_loop3A_24 = tpu.memref_slice %arg4[%parallel_loop3A_13] : memref<321536xi32, #tpu.memory_space<hbm>> -> memref<128xi32, #tpu.memory_space<hbm>>
        %parallel_loop3A_25 = tpu.memref_slice %arg4[%parallel_loop3A_13] : memref<321536xi32, #tpu.memory_space<hbm>> -> memref<128xi32, #tpu.memory_space<hbm>>
        tpu.enqueue_dma source(%parallel_loop3A_25 : memref<128xi32, #tpu.memory_space<hbm>>) target(%arg8 : memref<128xi32, #tpu.memory_space<vmem>>) target_semaphore(%parallel_loop3A_23 : memref<!tpu.dma_semaphore, #tpu.memory_space<semaphore_mem>>)
        %parallel_loop3A_26 = tpu.memref_slice %arg4[%parallel_loop3A_13] : memref<321536xi32, #tpu.memory_space<hbm>> -> memref<128xi32, #tpu.memory_space<hbm>>
        %parallel_loop3A_27 = tpu.memref_slice %arg4[%parallel_loop3A_13] : memref<321536xi32, #tpu.memory_space<hbm>> -> memref<128xi32, #tpu.memory_space<hbm>>
        tpu.wait_dma2 semaphore(%parallel_loop3A_23 : memref<!tpu.dma_semaphore, #tpu.memory_space<semaphore_mem>>) src(%parallel_loop3A_27 : memref<128xi32, #tpu.memory_space<hbm>>) dst(%arg8 : memref<128xi32, #tpu.memory_space<vmem>>)
        tpu.yield
      }) : () -> ()
      %parallel_loop3A_17 = arith.constant 0 : i32
      %parallel_loop3A_18 = arith.constant 0 : i32
      %parallel_loop3A_19 = tpu.memref_slice %arg2[%parallel_loop3A_17, %parallel_loop3A_18] : memref<8x128xf32, #tpu.memory_space<hbm>> -> memref<8x128xf32, #tpu.memory_space<hbm>>
      tpu.enqueue_indirect_dma source(%parallel_loop3A_19 : memref<8x128xf32, #tpu.memory_space<hbm>>) target(%arg9 : memref<128x128xf32, #tpu.memory_space<vmem>>) offsets(%arg7 : memref<128xi32, #tpu.memory_space<vmem>>) semaphore(%arg11 : memref<!tpu.dma_semaphore, #tpu.memory_space<semaphore_mem>>)
      %parallel_loop3A_20 = arith.constant 0 : i32
      %parallel_loop3A_21 = arith.constant 0 : i32
      %parallel_loop3A_22 = tpu.memref_slice %arg2[%parallel_loop3A_20, %parallel_loop3A_21] : memref<8x128xf32, #tpu.memory_space<hbm>> -> memref<8x128xf32, #tpu.memory_space<hbm>>
      tpu.wait_indirect_dma semaphore(%arg11 : memref<!tpu.dma_semaphore, #tpu.memory_space<semaphore_mem>>) src(%parallel_loop3A_22 : memref<8x128xf32, #tpu.memory_space<hbm>>) dst(%arg9 : memref<128x128xf32, #tpu.memory_space<vmem>>)
      "tpu.region"() ({
        %parallel_loop3A_23 = tpu.sem_alloc : memref<!tpu.dma_semaphore, #tpu.memory_space<semaphore_mem>>
        %parallel_loop3A_24 = arith.constant 0 : i32
        %parallel_loop3A_25 = arith.constant 0 : i32
        %parallel_loop3A_26 = tpu.memref_slice %arg10[%parallel_loop3A_24, %parallel_loop3A_25] : memref<10112x128xf32, #tpu.memory_space<vmem_shared>> -> memref<10112x128xf32, #tpu.memory_space<vmem_shared>>
        tpu.enqueue_indirect_dma source(%arg9 : memref<128x128xf32, #tpu.memory_space<vmem>>) target(%parallel_loop3A_26 : memref<10112x128xf32, #tpu.memory_space<vmem_shared>>) offsets(%arg8 : memref<128xi32, #tpu.memory_space<vmem>>) semaphore(%parallel_loop3A_23 : memref<!tpu.dma_semaphore, #tpu.memory_space<semaphore_mem>>) {add = true}
        %parallel_loop3A_27 = arith.constant 0 : i32
        %parallel_loop3A_28 = arith.constant 0 : i32
        %parallel_loop3A_29 = tpu.memref_slice %arg10[%parallel_loop3A_27, %parallel_loop3A_28] : memref<10112x128xf32, #tpu.memory_space<vmem_shared>> -> memref<10112x128xf32, #tpu.memory_space<vmem_shared>>
        tpu.wait_indirect_dma semaphore(%parallel_loop3A_23 : memref<!tpu.dma_semaphore, #tpu.memory_space<semaphore_mem>>) src(%arg9 : memref<128x128xf32, #tpu.memory_space<vmem>>) dst(%parallel_loop3A_29 : memref<10112x128xf32, #tpu.memory_space<vmem_shared>>)
        tpu.yield
      }) : () -> ()
    } {sc.loop_unroll_factor = 1 : i64, sc.parallel_access}
    %barrier3A_3 = arith.constant 0 : index
    tpu.barrier barrier_id(%barrier3A_3)
    %mul3A_4 = arith.constant 632 : i32
    %mul3A_5 = arith.muli %arg1, %mul3A_4 : i32
    %mul3A_6 = arith.constant 632 : i32
    %mul3A_7 = arith.muli %arg1, %mul3A_6 : i32
    "tpu.region"() ({
      %run_scoped3A = tpu.sem_alloc : memref<!tpu.dma_semaphore, #tpu.memory_space<semaphore_mem>>
      %dma_start3A = arith.constant 0 : i32
      %dma_start3A_8 = tpu.memref_slice %arg6[%arg0, %mul3A_7, %dma_start3A] : memref<2x10112x128xf32, #tpu.memory_space<hbm>> -> memref<1x632x128xf32, #tpu.memory_space<hbm>>
      %dma_start3A_9 = tpu.memref_squeeze %dma_start3A_8 : memref<1x632x128xf32, #tpu.memory_space<hbm>> -> memref<632x128xf32, #tpu.memory_space<hbm>>
      %dma_start3A_10 = arith.constant 0 : i32
      %dma_start3A_11 = tpu.memref_slice %arg10[%mul3A_5, %dma_start3A_10] : memref<10112x128xf32, #tpu.memory_space<vmem_shared>> -> memref<632x128xf32, #tpu.memory_space<vmem_shared>>
      tpu.enqueue_dma source(%dma_start3A_11 : memref<632x128xf32, #tpu.memory_space<vmem_shared>>) target(%dma_start3A_9 : memref<632x128xf32, #tpu.memory_space<hbm>>) target_semaphore(%run_scoped3A : memref<!tpu.dma_semaphore, #tpu.memory_space<semaphore_mem>>)
      %dma_wait3A = arith.constant 0 : i32
      %dma_wait3A_12 = tpu.memref_slice %arg6[%arg0, %mul3A_7, %dma_wait3A] : memref<2x10112x128xf32, #tpu.memory_space<hbm>> -> memref<1x632x128xf32, #tpu.memory_space<hbm>>
      %dma_wait3A_13 = tpu.memref_squeeze %dma_wait3A_12 : memref<1x632x128xf32, #tpu.memory_space<hbm>> -> memref<632x128xf32, #tpu.memory_space<hbm>>
      %dma_wait3A_14 = arith.constant 0 : i32
      %dma_wait3A_15 = tpu.memref_slice %arg10[%mul3A_5, %dma_wait3A_14] : memref<10112x128xf32, #tpu.memory_space<vmem_shared>> -> memref<632x128xf32, #tpu.memory_space<vmem_shared>>
      tpu.wait_dma2 semaphore(%run_scoped3A : memref<!tpu.dma_semaphore, #tpu.memory_space<semaphore_mem>>) src(%dma_wait3A_15 : memref<632x128xf32, #tpu.memory_space<vmem_shared>>) dst(%dma_wait3A_13 : memref<632x128xf32, #tpu.memory_space<hbm>>)
      tpu.yield
    }) : () -> ()
    return
  }
}

#map = affine_map<(d0, d1) -> (0, 0)>
#map1 = affine_map<(d0, d1) -> (0)>
#map2 = affine_map<(d0, d1) -> (0, 0, 0)>
module attributes {stable_mosaic.version = 14 : i64} {
  func.func @k(%arg0: i32, %arg1: i32, %arg2: memref<20000x128xf32, #tpu.memory_space<hbm>>, %arg3: memref<643072xi32, #tpu.memory_space<hbm>>, %arg4: memref<321536xi32, #tpu.memory_space<hbm>>, %arg5: memref<632x128xf32, #tpu.memory_space<hbm>>, %arg6: memref<2x10112x128xf32, #tpu.memory_space<hbm>>, %arg7: memref<128xi32, #tpu.memory_space<vmem>>, %arg8: memref<128xi32, #tpu.memory_space<vmem>>, %arg9: memref<128x128xf32, #tpu.memory_space<vmem>>, %arg10: memref<10112x128xf32, #tpu.memory_space<vmem_shared>>, %arg11: memref<!tpu.dma_semaphore, #tpu.memory_space<semaphore_mem>>) attributes {dimension_semantics = [#tpu.dimension_semantics<core_parallel>, #tpu.dimension_semantics<subcore_parallel>], iteration_bounds = array<i64: 2, 16>, scalar_prefetch = 0 : i64, scratch_operands = 5 : i64, tpu.core_type = #tpu.core_type<sc_vector_subcore>, window_params = [{transform_indices = #map}, {transform_indices = #map1}, {transform_indices = #map1}, {transform_indices = #map}, {transform_indices = #map2}]} {
    %mul3A = arith.constant 632 : i32
    %mul3A_0 = arith.muli %arg1, %mul3A : i32
    "tpu.region"() ({
      %run_scoped3A = tpu.sem_alloc : memref<!tpu.dma_semaphore, #tpu.memory_space<semaphore_mem>>
      %dma_start3A = arith.constant 0 : i32
      %dma_start3A_8 = tpu.memref_slice %arg10[%mul3A_0, %dma_start3A] : memref<10112x128xf32, #tpu.memory_space<vmem_shared>> -> memref<632x128xf32, #tpu.memory_space<vmem_shared>>
      tpu.enqueue_dma source(%arg5 : memref<632x128xf32, #tpu.memory_space<hbm>>) target(%dma_start3A_8 : memref<632x128xf32, #tpu.memory_space<vmem_shared>>) target_semaphore(%run_scoped3A : memref<!tpu.dma_semaphore, #tpu.memory_space<semaphore_mem>>)
      %dma_wait3A = arith.constant 0 : i32
      %dma_wait3A_9 = tpu.memref_slice %arg10[%mul3A_0, %dma_wait3A] : memref<10112x128xf32, #tpu.memory_space<vmem_shared>> -> memref<632x128xf32, #tpu.memory_space<vmem_shared>>
      tpu.wait_dma2 semaphore(%run_scoped3A : memref<!tpu.dma_semaphore, #tpu.memory_space<semaphore_mem>>) src(%arg5 : memref<632x128xf32, #tpu.memory_space<hbm>>) dst(%dma_wait3A_9 : memref<632x128xf32, #tpu.memory_space<vmem_shared>>)
      tpu.yield
    }) : () -> ()
    %barrier3A = arith.constant 0 : index
    tpu.barrier barrier_id(%barrier3A)
    %parallel_loop3A = arith.constant 0 : i32
    %parallel_loop3A_1 = arith.constant 157 : i32
    %parallel_loop3A_2 = arith.constant 1 : i32
    scf.for %parallel_loop3A_8 = %parallel_loop3A to %parallel_loop3A_1 step %parallel_loop3A_2  : i32 {
      %parallel_loop3A_9 = arith.constant 20096 : i32
      %parallel_loop3A_10 = arith.muli %arg1, %parallel_loop3A_9 : i32
      %parallel_loop3A_11 = arith.constant 128 : i32
      %parallel_loop3A_12 = arith.muli %parallel_loop3A_8, %parallel_loop3A_11 : i32
      %parallel_loop3A_13 = arith.addi %parallel_loop3A_10, %parallel_loop3A_12 : i32
      %parallel_loop3A_14 = arith.constant 321536 : i32
      %parallel_loop3A_15 = arith.muli %arg0, %parallel_loop3A_14 : i32
      %parallel_loop3A_16 = arith.addi %parallel_loop3A_15, %parallel_loop3A_13 : i32
      "tpu.region"() ({
        %parallel_loop3A_23 = tpu.sem_alloc : memref<!tpu.dma_semaphore, #tpu.memory_space<semaphore_mem>>
        %parallel_loop3A_24 = tpu.memref_slice %arg3[%parallel_loop3A_16] : memref<643072xi32, #tpu.memory_space<hbm>> -> memref<128xi32, #tpu.memory_space<hbm>>
        %parallel_loop3A_25 = tpu.memref_slice %arg3[%parallel_loop3A_16] : memref<643072xi32, #tpu.memory_space<hbm>> -> memref<128xi32, #tpu.memory_space<hbm>>
        tpu.enqueue_dma source(%parallel_loop3A_25 : memref<128xi32, #tpu.memory_space<hbm>>) target(%arg7 : memref<128xi32, #tpu.memory_space<vmem>>) target_semaphore(%parallel_loop3A_23 : memref<!tpu.dma_semaphore, #tpu.memory_space<semaphore_mem>>)
        %parallel_loop3A_26 = tpu.memref_slice %arg3[%parallel_loop3A_16] : memref<643072xi32, #tpu.memory_space<hbm>> -> memref<128xi32, #tpu.memory_space<hbm>>
        %parallel_loop3A_27 = tpu.memref_slice %arg3[%parallel_loop3A_16] : memref<643072xi32, #tpu.memory_space<hbm>> -> memref<128xi32, #tpu.memory_space<hbm>>
        tpu.wait_dma2 semaphore(%parallel_loop3A_23 : memref<!tpu.dma_semaphore, #tpu.memory_space<semaphore_mem>>) src(%parallel_loop3A_27 : memref<128xi32, #tpu.memory_space<hbm>>) dst(%arg7 : memref<128xi32, #tpu.memory_space<vmem>>)
        tpu.yield
      }) : () -> ()
      "tpu.region"() ({
        %parallel_loop3A_23 = tpu.sem_alloc : memref<!tpu.dma_semaphore, #tpu.memory_space<semaphore_mem>>
        %parallel_loop3A_24 = tpu.memref_slice %arg4[%parallel_loop3A_13] : memref<321536xi32, #tpu.memory_space<hbm>> -> memref<128xi32, #tpu.memory_space<hbm>>
        %parallel_loop3A_25 = tpu.memref_slice %arg4[%parallel_loop3A_13] : memref<321536xi32, #tpu.memory_space<hbm>> -> memref<128xi32, #tpu.memory_space<hbm>>
        tpu.enqueue_dma source(%parallel_loop3A_25 : memref<128xi32, #tpu.memory_space<hbm>>) target(%arg8 : memref<128xi32, #tpu.memory_space<vmem>>) target_semaphore(%parallel_loop3A_23 : memref<!tpu.dma_semaphore, #tpu.memory_space<semaphore_mem>>)
        %parallel_loop3A_26 = tpu.memref_slice %arg4[%parallel_loop3A_13] : memref<321536xi32, #tpu.memory_space<hbm>> -> memref<128xi32, #tpu.memory_space<hbm>>
        %parallel_loop3A_27 = tpu.memref_slice %arg4[%parallel_loop3A_13] : memref<321536xi32, #tpu.memory_space<hbm>> -> memref<128xi32, #tpu.memory_space<hbm>>
        tpu.wait_dma2 semaphore(%parallel_loop3A_23 : memref<!tpu.dma_semaphore, #tpu.memory_space<semaphore_mem>>) src(%parallel_loop3A_27 : memref<128xi32, #tpu.memory_space<hbm>>) dst(%arg8 : memref<128xi32, #tpu.memory_space<vmem>>)
        tpu.yield
      }) : () -> ()
      %parallel_loop3A_17 = arith.constant 0 : i32
      %parallel_loop3A_18 = arith.constant 0 : i32
      %parallel_loop3A_19 = tpu.memref_slice %arg2[%parallel_loop3A_17, %parallel_loop3A_18] : memref<20000x128xf32, #tpu.memory_space<hbm>> -> memref<20000x128xf32, #tpu.memory_space<hbm>>
      tpu.enqueue_indirect_dma source(%parallel_loop3A_19 : memref<20000x128xf32, #tpu.memory_space<hbm>>) target(%arg9 : memref<128x128xf32, #tpu.memory_space<vmem>>) offsets(%arg7 : memref<128xi32, #tpu.memory_space<vmem>>) semaphore(%arg11 : memref<!tpu.dma_semaphore, #tpu.memory_space<semaphore_mem>>)
      %parallel_loop3A_20 = arith.constant 0 : i32
      %parallel_loop3A_21 = arith.constant 0 : i32
      %parallel_loop3A_22 = tpu.memref_slice %arg2[%parallel_loop3A_20, %parallel_loop3A_21] : memref<20000x128xf32, #tpu.memory_space<hbm>> -> memref<20000x128xf32, #tpu.memory_space<hbm>>
      tpu.wait_indirect_dma semaphore(%arg11 : memref<!tpu.dma_semaphore, #tpu.memory_space<semaphore_mem>>) src(%parallel_loop3A_22 : memref<20000x128xf32, #tpu.memory_space<hbm>>) dst(%arg9 : memref<128x128xf32, #tpu.memory_space<vmem>>)
      "tpu.region"() ({
        %parallel_loop3A_23 = tpu.sem_alloc : memref<!tpu.dma_semaphore, #tpu.memory_space<semaphore_mem>>
        %parallel_loop3A_24 = arith.constant 0 : i32
        %parallel_loop3A_25 = arith.constant 0 : i32
        %parallel_loop3A_26 = tpu.memref_slice %arg10[%parallel_loop3A_24, %parallel_loop3A_25] : memref<10112x128xf32, #tpu.memory_space<vmem_shared>> -> memref<10112x128xf32, #tpu.memory_space<vmem_shared>>
        tpu.enqueue_indirect_dma source(%arg9 : memref<128x128xf32, #tpu.memory_space<vmem>>) target(%parallel_loop3A_26 : memref<10112x128xf32, #tpu.memory_space<vmem_shared>>) offsets(%arg8 : memref<128xi32, #tpu.memory_space<vmem>>) semaphore(%parallel_loop3A_23 : memref<!tpu.dma_semaphore, #tpu.memory_space<semaphore_mem>>) {add = true}
        %parallel_loop3A_27 = arith.constant 0 : i32
        %parallel_loop3A_28 = arith.constant 0 : i32
        %parallel_loop3A_29 = tpu.memref_slice %arg10[%parallel_loop3A_27, %parallel_loop3A_28] : memref<10112x128xf32, #tpu.memory_space<vmem_shared>> -> memref<10112x128xf32, #tpu.memory_space<vmem_shared>>
        tpu.wait_indirect_dma semaphore(%parallel_loop3A_23 : memref<!tpu.dma_semaphore, #tpu.memory_space<semaphore_mem>>) src(%arg9 : memref<128x128xf32, #tpu.memory_space<vmem>>) dst(%parallel_loop3A_29 : memref<10112x128xf32, #tpu.memory_space<vmem_shared>>)
        tpu.yield
      }) : () -> ()
    } {sc.loop_unroll_factor = 1 : i64, sc.parallel_access}
    %barrier3A_3 = arith.constant 0 : index
    tpu.barrier barrier_id(%barrier3A_3)
    %mul3A_4 = arith.constant 632 : i32
    %mul3A_5 = arith.muli %arg1, %mul3A_4 : i32
    %mul3A_6 = arith.constant 632 : i32
    %mul3A_7 = arith.muli %arg1, %mul3A_6 : i32
    "tpu.region"() ({
      %run_scoped3A = tpu.sem_alloc : memref<!tpu.dma_semaphore, #tpu.memory_space<semaphore_mem>>
      %dma_start3A = arith.constant 0 : i32
      %dma_start3A_8 = tpu.memref_slice %arg6[%arg0, %mul3A_7, %dma_start3A] : memref<2x10112x128xf32, #tpu.memory_space<hbm>> -> memref<1x632x128xf32, #tpu.memory_space<hbm>>
      %dma_start3A_9 = tpu.memref_squeeze %dma_start3A_8 : memref<1x632x128xf32, #tpu.memory_space<hbm>> -> memref<632x128xf32, #tpu.memory_space<hbm>>
      %dma_start3A_10 = arith.constant 0 : i32
      %dma_start3A_11 = tpu.memref_slice %arg10[%mul3A_5, %dma_start3A_10] : memref<10112x128xf32, #tpu.memory_space<vmem_shared>> -> memref<632x128xf32, #tpu.memory_space<vmem_shared>>
      tpu.enqueue_dma source(%dma_start3A_11 : memref<632x128xf32, #tpu.memory_space<vmem_shared>>) target(%dma_start3A_9 : memref<632x128xf32, #tpu.memory_space<hbm>>) target_semaphore(%run_scoped3A : memref<!tpu.dma_semaphore, #tpu.memory_space<semaphore_mem>>)
      %dma_wait3A = arith.constant 0 : i32
      %dma_wait3A_12 = tpu.memref_slice %arg6[%arg0, %mul3A_7, %dma_wait3A] : memref<2x10112x128xf32, #tpu.memory_space<hbm>> -> memref<1x632x128xf32, #tpu.memory_space<hbm>>
      %dma_wait3A_13 = tpu.memref_squeeze %dma_wait3A_12 : memref<1x632x128xf32, #tpu.memory_space<hbm>> -> memref<632x128xf32, #tpu.memory_space<hbm>>
      %dma_wait3A_14 = arith.constant 0 : i32
      %dma_wait3A_15 = tpu.memref_slice %arg10[%mul3A_5, %dma_wait3A_14] : memref<10112x128xf32, #tpu.memory_space<vmem_shared>> -> memref<632x128xf32, #tpu.memory_space<vmem_shared>>
      tpu.wait_dma2 semaphore(%run_scoped3A : memref<!tpu.dma_semaphore, #tpu.memory_space<semaphore_mem>>) src(%dma_wait3A_15 : memref<632x128xf32, #tpu.memory_space<vmem_shared>>) dst(%dma_wait3A_13 : memref<632x128xf32, #tpu.memory_space<hbm>>)
      tpu.yield
    }) : () -> ()
    return
  }
}

#map = affine_map<(d0, d1) -> (0, 0)>
#map1 = affine_map<(d0, d1) -> (0)>
#map2 = affine_map<(d0, d1) -> (0, 0, 0)>
module attributes {stable_mosaic.version = 14 : i64} {
  func.func @k(%arg0: i32, %arg1: i32, %arg2: memref<20000x128xf32, #tpu.memory_space<hbm>>, %arg3: memref<643072xi32, #tpu.memory_space<hbm>>, %arg4: memref<321536xi32, #tpu.memory_space<hbm>>, %arg5: memref<632x128xf32, #tpu.memory_space<hbm>>, %arg6: memref<2x10112x128xf32, #tpu.memory_space<hbm>>, %arg7: memref<128xi32, #tpu.memory_space<vmem>>, %arg8: memref<128xi32, #tpu.memory_space<vmem>>, %arg9: memref<128x128xf32, #tpu.memory_space<vmem>>, %arg10: memref<10112x128xf32, #tpu.memory_space<vmem_shared>>, %arg11: memref<!tpu.dma_semaphore, #tpu.memory_space<semaphore_mem>>) attributes {dimension_semantics = [#tpu.dimension_semantics<core_parallel>, #tpu.dimension_semantics<subcore_parallel>], iteration_bounds = array<i64: 2, 16>, scalar_prefetch = 0 : i64, scratch_operands = 5 : i64, tpu.core_type = #tpu.core_type<sc_vector_subcore>, window_params = [{transform_indices = #map}, {transform_indices = #map1}, {transform_indices = #map1}, {transform_indices = #map}, {transform_indices = #map2}]} {
    %mul3A = arith.constant 632 : i32
    %mul3A_0 = arith.muli %arg1, %mul3A : i32
    "tpu.region"() ({
      %run_scoped3A = tpu.sem_alloc : memref<!tpu.dma_semaphore, #tpu.memory_space<semaphore_mem>>
      %dma_start3A = arith.constant 0 : i32
      %dma_start3A_8 = tpu.memref_slice %arg10[%mul3A_0, %dma_start3A] : memref<10112x128xf32, #tpu.memory_space<vmem_shared>> -> memref<632x128xf32, #tpu.memory_space<vmem_shared>>
      tpu.enqueue_dma source(%arg5 : memref<632x128xf32, #tpu.memory_space<hbm>>) target(%dma_start3A_8 : memref<632x128xf32, #tpu.memory_space<vmem_shared>>) target_semaphore(%run_scoped3A : memref<!tpu.dma_semaphore, #tpu.memory_space<semaphore_mem>>)
      %dma_wait3A = arith.constant 0 : i32
      %dma_wait3A_9 = tpu.memref_slice %arg10[%mul3A_0, %dma_wait3A] : memref<10112x128xf32, #tpu.memory_space<vmem_shared>> -> memref<632x128xf32, #tpu.memory_space<vmem_shared>>
      tpu.wait_dma2 semaphore(%run_scoped3A : memref<!tpu.dma_semaphore, #tpu.memory_space<semaphore_mem>>) src(%arg5 : memref<632x128xf32, #tpu.memory_space<hbm>>) dst(%dma_wait3A_9 : memref<632x128xf32, #tpu.memory_space<vmem_shared>>)
      tpu.yield
    }) : () -> ()
    %barrier3A = arith.constant 0 : index
    tpu.barrier barrier_id(%barrier3A)
    %parallel_loop3A = arith.constant 0 : i32
    %parallel_loop3A_1 = arith.constant 157 : i32
    %parallel_loop3A_2 = arith.constant 1 : i32
    scf.for %parallel_loop3A_8 = %parallel_loop3A to %parallel_loop3A_1 step %parallel_loop3A_2  : i32 {
      %parallel_loop3A_9 = arith.constant 20096 : i32
      %parallel_loop3A_10 = arith.muli %arg1, %parallel_loop3A_9 : i32
      %parallel_loop3A_11 = arith.constant 128 : i32
      %parallel_loop3A_12 = arith.muli %parallel_loop3A_8, %parallel_loop3A_11 : i32
      %parallel_loop3A_13 = arith.addi %parallel_loop3A_10, %parallel_loop3A_12 : i32
      %parallel_loop3A_14 = arith.constant 321536 : i32
      %parallel_loop3A_15 = arith.muli %arg0, %parallel_loop3A_14 : i32
      %parallel_loop3A_16 = arith.addi %parallel_loop3A_15, %parallel_loop3A_13 : i32
      "tpu.region"() ({
        %parallel_loop3A_23 = tpu.sem_alloc : memref<!tpu.dma_semaphore, #tpu.memory_space<semaphore_mem>>
        %parallel_loop3A_24 = tpu.memref_slice %arg3[%parallel_loop3A_16] : memref<643072xi32, #tpu.memory_space<hbm>> -> memref<128xi32, #tpu.memory_space<hbm>>
        %parallel_loop3A_25 = tpu.memref_slice %arg3[%parallel_loop3A_16] : memref<643072xi32, #tpu.memory_space<hbm>> -> memref<128xi32, #tpu.memory_space<hbm>>
        tpu.enqueue_dma source(%parallel_loop3A_25 : memref<128xi32, #tpu.memory_space<hbm>>) target(%arg7 : memref<128xi32, #tpu.memory_space<vmem>>) target_semaphore(%parallel_loop3A_23 : memref<!tpu.dma_semaphore, #tpu.memory_space<semaphore_mem>>)
        %parallel_loop3A_26 = tpu.memref_slice %arg3[%parallel_loop3A_16] : memref<643072xi32, #tpu.memory_space<hbm>> -> memref<128xi32, #tpu.memory_space<hbm>>
        %parallel_loop3A_27 = tpu.memref_slice %arg3[%parallel_loop3A_16] : memref<643072xi32, #tpu.memory_space<hbm>> -> memref<128xi32, #tpu.memory_space<hbm>>
        tpu.wait_dma2 semaphore(%parallel_loop3A_23 : memref<!tpu.dma_semaphore, #tpu.memory_space<semaphore_mem>>) src(%parallel_loop3A_27 : memref<128xi32, #tpu.memory_space<hbm>>) dst(%arg7 : memref<128xi32, #tpu.memory_space<vmem>>)
        tpu.yield
      }) : () -> ()
      "tpu.region"() ({
        %parallel_loop3A_23 = tpu.sem_alloc : memref<!tpu.dma_semaphore, #tpu.memory_space<semaphore_mem>>
        %parallel_loop3A_24 = tpu.memref_slice %arg4[%parallel_loop3A_13] : memref<321536xi32, #tpu.memory_space<hbm>> -> memref<128xi32, #tpu.memory_space<hbm>>
        %parallel_loop3A_25 = tpu.memref_slice %arg4[%parallel_loop3A_13] : memref<321536xi32, #tpu.memory_space<hbm>> -> memref<128xi32, #tpu.memory_space<hbm>>
        tpu.enqueue_dma source(%parallel_loop3A_25 : memref<128xi32, #tpu.memory_space<hbm>>) target(%arg8 : memref<128xi32, #tpu.memory_space<vmem>>) target_semaphore(%parallel_loop3A_23 : memref<!tpu.dma_semaphore, #tpu.memory_space<semaphore_mem>>)
        %parallel_loop3A_26 = tpu.memref_slice %arg4[%parallel_loop3A_13] : memref<321536xi32, #tpu.memory_space<hbm>> -> memref<128xi32, #tpu.memory_space<hbm>>
        %parallel_loop3A_27 = tpu.memref_slice %arg4[%parallel_loop3A_13] : memref<321536xi32, #tpu.memory_space<hbm>> -> memref<128xi32, #tpu.memory_space<hbm>>
        tpu.wait_dma2 semaphore(%parallel_loop3A_23 : memref<!tpu.dma_semaphore, #tpu.memory_space<semaphore_mem>>) src(%parallel_loop3A_27 : memref<128xi32, #tpu.memory_space<hbm>>) dst(%arg8 : memref<128xi32, #tpu.memory_space<vmem>>)
        tpu.yield
      }) : () -> ()
      %parallel_loop3A_17 = arith.constant 0 : i32
      %parallel_loop3A_18 = arith.constant 0 : i32
      %parallel_loop3A_19 = tpu.memref_slice %arg2[%parallel_loop3A_17, %parallel_loop3A_18] : memref<20000x128xf32, #tpu.memory_space<hbm>> -> memref<20000x128xf32, #tpu.memory_space<hbm>>
      tpu.enqueue_indirect_dma source(%parallel_loop3A_19 : memref<20000x128xf32, #tpu.memory_space<hbm>>) target(%arg9 : memref<128x128xf32, #tpu.memory_space<vmem>>) offsets(%arg7 : memref<128xi32, #tpu.memory_space<vmem>>) semaphore(%arg11 : memref<!tpu.dma_semaphore, #tpu.memory_space<semaphore_mem>>)
      %parallel_loop3A_20 = arith.constant 0 : i32
      %parallel_loop3A_21 = arith.constant 0 : i32
      %parallel_loop3A_22 = tpu.memref_slice %arg2[%parallel_loop3A_20, %parallel_loop3A_21] : memref<20000x128xf32, #tpu.memory_space<hbm>> -> memref<20000x128xf32, #tpu.memory_space<hbm>>
      tpu.wait_indirect_dma semaphore(%arg11 : memref<!tpu.dma_semaphore, #tpu.memory_space<semaphore_mem>>) src(%parallel_loop3A_22 : memref<20000x128xf32, #tpu.memory_space<hbm>>) dst(%arg9 : memref<128x128xf32, #tpu.memory_space<vmem>>)
      "tpu.region"() ({
        %parallel_loop3A_23 = tpu.sem_alloc : memref<!tpu.dma_semaphore, #tpu.memory_space<semaphore_mem>>
        %parallel_loop3A_24 = arith.constant 0 : i32
        %parallel_loop3A_25 = arith.constant 0 : i32
        %parallel_loop3A_26 = tpu.memref_slice %arg10[%parallel_loop3A_24, %parallel_loop3A_25] : memref<10112x128xf32, #tpu.memory_space<vmem_shared>> -> memref<10112x128xf32, #tpu.memory_space<vmem_shared>>
        tpu.enqueue_indirect_dma source(%arg9 : memref<128x128xf32, #tpu.memory_space<vmem>>) target(%parallel_loop3A_26 : memref<10112x128xf32, #tpu.memory_space<vmem_shared>>) offsets(%arg8 : memref<128xi32, #tpu.memory_space<vmem>>) semaphore(%parallel_loop3A_23 : memref<!tpu.dma_semaphore, #tpu.memory_space<semaphore_mem>>) {add = true}
        %parallel_loop3A_27 = arith.constant 0 : i32
        %parallel_loop3A_28 = arith.constant 0 : i32
        %parallel_loop3A_29 = tpu.memref_slice %arg10[%parallel_loop3A_27, %parallel_loop3A_28] : memref<10112x128xf32, #tpu.memory_space<vmem_shared>> -> memref<10112x128xf32, #tpu.memory_space<vmem_shared>>
        tpu.wait_indirect_dma semaphore(%parallel_loop3A_23 : memref<!tpu.dma_semaphore, #tpu.memory_space<semaphore_mem>>) src(%arg9 : memref<128x128xf32, #tpu.memory_space<vmem>>) dst(%parallel_loop3A_29 : memref<10112x128xf32, #tpu.memory_space<vmem_shared>>)
        tpu.yield
      }) : () -> ()
    } {sc.loop_unroll_factor = 1 : i64, sc.parallel_access}
    %barrier3A_3 = arith.constant 0 : index
    tpu.barrier barrier_id(%barrier3A_3)
    %mul3A_4 = arith.constant 632 : i32
    %mul3A_5 = arith.muli %arg1, %mul3A_4 : i32
    %mul3A_6 = arith.constant 632 : i32
    %mul3A_7 = arith.muli %arg1, %mul3A_6 : i32
    "tpu.region"() ({
      %run_scoped3A = tpu.sem_alloc : memref<!tpu.dma_semaphore, #tpu.memory_space<semaphore_mem>>
      %dma_start3A = arith.constant 0 : i32
      %dma_start3A_8 = tpu.memref_slice %arg6[%arg0, %mul3A_7, %dma_start3A] : memref<2x10112x128xf32, #tpu.memory_space<hbm>> -> memref<1x632x128xf32, #tpu.memory_space<hbm>>
      %dma_start3A_9 = tpu.memref_squeeze %dma_start3A_8 : memref<1x632x128xf32, #tpu.memory_space<hbm>> -> memref<632x128xf32, #tpu.memory_space<hbm>>
      %dma_start3A_10 = arith.constant 0 : i32
      %dma_start3A_11 = tpu.memref_slice %arg10[%mul3A_5, %dma_start3A_10] : memref<10112x128xf32, #tpu.memory_space<vmem_shared>> -> memref<632x128xf32, #tpu.memory_space<vmem_shared>>
      tpu.enqueue_dma source(%dma_start3A_11 : memref<632x128xf32, #tpu.memory_space<vmem_shared>>) target(%dma_start3A_9 : memref<632x128xf32, #tpu.memory_space<hbm>>) target_semaphore(%run_scoped3A : memref<!tpu.dma_semaphore, #tpu.memory_space<semaphore_mem>>)
      %dma_wait3A = arith.constant 0 : i32
      %dma_wait3A_12 = tpu.memref_slice %arg6[%arg0, %mul3A_7, %dma_wait3A] : memref<2x10112x128xf32, #tpu.memory_space<hbm>> -> memref<1x632x128xf32, #tpu.memory_space<hbm>>
      %dma_wait3A_13 = tpu.memref_squeeze %dma_wait3A_12 : memref<1x632x128xf32, #tpu.memory_space<hbm>> -> memref<632x128xf32, #tpu.memory_space<hbm>>
      %dma_wait3A_14 = arith.constant 0 : i32
      %dma_wait3A_15 = tpu.memref_slice %arg10[%mul3A_5, %dma_wait3A_14] : memref<10112x128xf32, #tpu.memory_space<vmem_shared>> -> memref<632x128xf32, #tpu.memory_space<vmem_shared>>
      tpu.wait_dma2 semaphore(%run_scoped3A : memref<!tpu.dma_semaphore, #tpu.memory_space<semaphore_mem>>) src(%dma_wait3A_15 : memref<632x128xf32, #tpu.memory_space<vmem_shared>>) dst(%dma_wait3A_13 : memref<632x128xf32, #tpu.memory_space<hbm>>)
      tpu.yield
    }) : () -> ()
    return
  }
}

module attributes {stable_mosaic.version = 14 : i64} {
  func.func @body(%arg0: i32, %arg1: i32, %arg2: memref<1000x128xf32, #tpu.memory_space<vmem>>, %arg3: memref<128x128xf32, #tpu.memory_space<vmem>>, %arg4: memref<2x1000x128xf32, #tpu.memory_space<vmem>>, %arg5: memref<1x1000x128xf32, #tpu.memory_space<vmem>>) attributes {dimension_semantics = [#tpu.dimension_semantics<arbitrary>, #tpu.dimension_semantics<arbitrary>], iteration_bounds = array<i64: 10, 2>, scalar_prefetch = 0 : i64, scratch_operands = 0 : i64, tpu.core_type = #tpu.core_type<tc>, window_params = [{transform_indices = @transform_0, window_bounds = array<i64: 1000, 128>}, {transform_indices = @transform_1, window_bounds = array<i64: 128, 128>}, {transform_indices = @transform_2, window_bounds = array<i64: 2, 1000, 128>}, {transform_indices = @transform_3, window_bounds = array<i64: 1, 1000, 128>}]} {
    %get3A = arith.constant 0 : index
    %get3A_0 = arith.constant 0 : index
    %get3A_1 = vector.load %arg2[%get3A, %get3A_0] : memref<1000x128xf32, #tpu.memory_space<vmem>>, vector<1000x128xf32>
    %get3A_2 = arith.constant 0 : index
    %get3A_3 = arith.constant 0 : index
    %get3A_4 = vector.load %arg3[%get3A_2, %get3A_3] : memref<128x128xf32, #tpu.memory_space<vmem>>, vector<128x128xf32>
    %dot_general3A = arith.constant dense<0.000000e+00> : vector<1000x128xf32>
    %dot_general3A_5 = tpu.matmul %get3A_1, %get3A_4, %dot_general3A {dimension_numbers = #tpu.dot_dimension_numbers<[1], [0], [0], [1], [0, 0, 1, 1], [], []>, transpose_lhs_hint = false} : vector<1000x128xf32>, vector<128x128xf32>, vector<1000x128xf32> -> vector<1000x128xf32>
    %get3A_6 = arith.constant 0 : index
    %get3A_7 = arith.constant 0 : index
    %get3A_8 = arith.constant 0 : index
    %get3A_9 = vector.load %arg4[%get3A_6, %get3A_7, %get3A_8] : memref<2x1000x128xf32, #tpu.memory_space<vmem>>, vector<1x1000x1xf32>
    %get3A_10 = vector.shape_cast %get3A_9 : vector<1x1000x1xf32> to vector<1000x1xf32>
    %add3A = arith.constant 1.000000e+00 : f32
    %add3A_11 = vector.broadcast %add3A : f32 to vector<1000x1xf32>
    %add3A_12 = arith.addf %get3A_10, %add3A_11 : vector<1000x1xf32>
    %rsqrt3A = math.rsqrt %add3A_12 : vector<1000x1xf32>
    %mul3A = vector.broadcast %rsqrt3A : vector<1000x1xf32> to vector<1000x128xf32>
    %mul3A_13 = arith.mulf %dot_general3A_5, %mul3A : vector<1000x128xf32>
    %swap3A = arith.constant 0 : index
    %swap3A_14 = arith.constant 0 : index
    %swap3A_15 = arith.constant 0 : index
    %swap3A_16 = vector.load %arg5[%swap3A, %swap3A_14, %swap3A_15] : memref<1x1000x128xf32, #tpu.memory_space<vmem>>, vector<1x1000x128xf32>
    %swap3A_17 = vector.shape_cast %swap3A_16 : vector<1x1000x128xf32> to vector<1000x128xf32>
    %swap3A_18 = vector.shape_cast %mul3A_13 : vector<1000x128xf32> to vector<1x1000x128xf32>
    tpu.vector_store %arg5[%swap3A, %swap3A_14, %swap3A_15], %swap3A_18 {strides = array<i32>} : memref<1x1000x128xf32, #tpu.memory_space<vmem>>, vector<1x1000x128xf32>,
    return
  }
  func.func @transform_0(%arg0: i32, %arg1: i32) -> (i32, i32) {
    %c0_i32 = arith.constant 0 : i32
    %c0_i32_0 = arith.constant 0 : i32
    return %arg0, %c0_i32 : i32, i32
  }
  func.func @transform_1(%arg0: i32, %arg1: i32) -> (i32, i32) {
    %c0_i32 = arith.constant 0 : i32
    %c0_i32_0 = arith.constant 0 : i32
    return %c0_i32, %arg1 : i32, i32
  }
  func.func @transform_2(%arg0: i32, %arg1: i32) -> (i32, i32, i32) {
    %c0_i32 = arith.constant 0 : i32
    %c0_i32_0 = arith.constant 0 : i32
    %c0_i32_1 = arith.constant 0 : i32
    return %c0_i32, %arg0, %c0_i32_0 : i32, i32, i32
  }
  func.func @transform_3(%arg0: i32, %arg1: i32) -> (i32, i32, i32) {
    %c0_i32 = arith.constant 0 : i32
    %c0_i32_0 = arith.constant 0 : i32
    return %arg1, %arg0, %c0_i32 : i32, i32, i32
  }
}

module attributes {stable_mosaic.version = 14 : i64} {
  func.func @body(%arg0: i32, %arg1: memref<2x1000x128xf32, #tpu.memory_space<vmem>>, %arg2: memref<2x1000x128xf32, #tpu.memory_space<vmem>>, %arg3: memref<2x1000x128xf32, #tpu.memory_space<vmem>>, %arg4: memref<1x256xf32, #tpu.memory_space<vmem>>, %arg5: memref<1000x256xf32, #tpu.memory_space<vmem>>) attributes {dimension_semantics = [#tpu.dimension_semantics<arbitrary>], iteration_bounds = array<i64: 10>, scalar_prefetch = 0 : i64, scratch_operands = 0 : i64, tpu.core_type = #tpu.core_type<tc>, window_params = [{transform_indices = @transform_0, window_bounds = array<i64: 2, 1000, 128>}, {transform_indices = @transform_1, window_bounds = array<i64: 2, 1000, 128>}, {transform_indices = @transform_2, window_bounds = array<i64: 2, 1000, 128>}, {pipeline_mode = #tpu.pipeline_mode<synchronous>, transform_indices = @transform_3, window_bounds = array<i64: 1, 256>}, {transform_indices = @transform_4, window_bounds = array<i64: 1000, 256>}]} {
    %get3A = arith.constant 0 : index
    %get3A_0 = arith.constant 0 : index
    %get3A_1 = arith.constant 0 : index
    %get3A_2 = vector.load %arg1[%get3A, %get3A_0, %get3A_1] : memref<2x1000x128xf32, #tpu.memory_space<vmem>>, vector<1x1000x128xf32>
    %get3A_3 = vector.shape_cast %get3A_2 : vector<1x1000x128xf32> to vector<1000x128xf32>
    %get3A_4 = arith.constant 1 : index
    %get3A_5 = arith.constant 0 : index
    %get3A_6 = arith.constant 0 : index
    %get3A_7 = vector.load %arg1[%get3A_4, %get3A_5, %get3A_6] : memref<2x1000x128xf32, #tpu.memory_space<vmem>>, vector<1x1000x128xf32>
    %get3A_8 = vector.shape_cast %get3A_7 : vector<1x1000x128xf32> to vector<1000x128xf32>
    %concatenate3A = tpu.concatenate %get3A_3, %get3A_8 in 1 : vector<1000x128xf32>, vector<1000x128xf32> -> vector<1000x256xf32>
    %get3A_9 = arith.constant 0 : index
    %get3A_10 = arith.constant 0 : index
    %get3A_11 = arith.constant 0 : index
    %get3A_12 = vector.load %arg2[%get3A_9, %get3A_10, %get3A_11] : memref<2x1000x128xf32, #tpu.memory_space<vmem>>, vector<1x1000x128xf32>
    %get3A_13 = vector.shape_cast %get3A_12 : vector<1x1000x128xf32> to vector<1000x128xf32>
    %get3A_14 = arith.constant 1 : index
    %get3A_15 = arith.constant 0 : index
    %get3A_16 = arith.constant 0 : index
    %get3A_17 = vector.load %arg2[%get3A_14, %get3A_15, %get3A_16] : memref<2x1000x128xf32, #tpu.memory_space<vmem>>, vector<1x1000x128xf32>
    %get3A_18 = vector.shape_cast %get3A_17 : vector<1x1000x128xf32> to vector<1000x128xf32>
    %concatenate3A_19 = tpu.concatenate %get3A_13, %get3A_18 in 1 : vector<1000x128xf32>, vector<1000x128xf32> -> vector<1000x256xf32>
    %get3A_20 = arith.constant 0 : index
    %get3A_21 = arith.constant 0 : index
    %get3A_22 = arith.constant 0 : index
    %get3A_23 = vector.load %arg3[%get3A_20, %get3A_21, %get3A_22] : memref<2x1000x128xf32, #tpu.memory_space<vmem>>, vector<1x1000x1xf32>
    %get3A_24 = vector.shape_cast %get3A_23 : vector<1x1000x1xf32> to vector<1000x1xf32>
    %add3A = arith.constant 1.000000e+00 : f32
    %add3A_25 = vector.broadcast %add3A : f32 to vector<1000x1xf32>
    %add3A_26 = arith.addf %get3A_24, %add3A_25 : vector<1000x1xf32>
    %rsqrt3A = math.rsqrt %add3A_26 : vector<1000x1xf32>
    %add3A_27 = arith.addf %concatenate3A, %concatenate3A_19 : vector<1000x256xf32>
    %mul3A = vector.broadcast %rsqrt3A : vector<1000x1xf32> to vector<1000x256xf32>
    %mul3A_28 = arith.mulf %mul3A, %add3A_27 : vector<1000x256xf32>
    %get3A_29 = arith.constant 0 : index
    %get3A_30 = arith.constant 0 : index
    %get3A_31 = vector.load %arg4[%get3A_29, %get3A_30] : memref<1x256xf32, #tpu.memory_space<vmem>>, vector<1x256xf32>
    %add3A_32 = vector.broadcast %get3A_31 : vector<1x256xf32> to vector<1000x256xf32>
    %add3A_33 = arith.addf %mul3A_28, %add3A_32 : vector<1000x256xf32>
    %max3A = arith.constant 0.000000e+00 : f32
    %max3A_34 = vector.broadcast %max3A : f32 to vector<1000x256xf32>
    %max3A_35 = arith.maximumf %add3A_33, %max3A_34 : vector<1000x256xf32>
    %swap3A = arith.constant 0 : index
    %swap3A_36 = arith.constant 0 : index
    %swap3A_37 = vector.load %arg5[%swap3A, %swap3A_36] : memref<1000x256xf32, #tpu.memory_space<vmem>>, vector<1000x256xf32>
    tpu.vector_store %arg5[%swap3A, %swap3A_36], %max3A_35 {strides = array<i32>} : memref<1000x256xf32, #tpu.memory_space<vmem>>, vector<1000x256xf32>,
    return
  }
  func.func @transform_0(%arg0: i32) -> (i32, i32, i32) {
    %c0_i32 = arith.constant 0 : i32
    %c0_i32_0 = arith.constant 0 : i32
    %c0_i32_1 = arith.constant 0 : i32
    return %c0_i32, %arg0, %c0_i32_0 : i32, i32, i32
  }
  func.func @transform_1(%arg0: i32) -> (i32, i32, i32) {
    %c0_i32 = arith.constant 0 : i32
    %c0_i32_0 = arith.constant 0 : i32
    %c0_i32_1 = arith.constant 0 : i32
    return %c0_i32, %arg0, %c0_i32_0 : i32, i32, i32
  }
  func.func @transform_2(%arg0: i32) -> (i32, i32, i32) {
    %c0_i32 = arith.constant 0 : i32
    %c0_i32_0 = arith.constant 0 : i32
    %c0_i32_1 = arith.constant 0 : i32
    return %c0_i32, %arg0, %c0_i32_0 : i32, i32, i32
  }
  func.func @transform_3(%arg0: i32) -> (i32, i32) {
    %c0_i32 = arith.constant 0 : i32
    %c0_i32_0 = arith.constant 0 : i32
    %c0_i32_1 = arith.constant 0 : i32
    return %c0_i32, %c0_i32_0 : i32, i32
  }
  func.func @transform_4(%arg0: i32) -> (i32, i32) {
    %c0_i32 = arith.constant 0 : i32
    %c0_i32_0 = arith.constant 0 : i32
    return %arg0, %c0_i32 : i32, i32
  }
}

module attributes {stable_mosaic.version = 14 : i64} {
  func.func @body(%arg0: i32, %arg1: i32, %arg2: memref<1000x256xf32, #tpu.memory_space<vmem>>, %arg3: memref<256x128xf32, #tpu.memory_space<vmem>>, %arg4: memref<1x1000x128xf32, #tpu.memory_space<vmem>>) attributes {dimension_semantics = [#tpu.dimension_semantics<arbitrary>, #tpu.dimension_semantics<arbitrary>], iteration_bounds = array<i64: 10, 2>, scalar_prefetch = 0 : i64, scratch_operands = 0 : i64, tpu.core_type = #tpu.core_type<tc>, window_params = [{transform_indices = @transform_0, window_bounds = array<i64: 1000, 256>}, {transform_indices = @transform_1, window_bounds = array<i64: 256, 128>}, {transform_indices = @transform_2, window_bounds = array<i64: 1, 1000, 128>}]} {
    %get3A = arith.constant 0 : index
    %get3A_0 = arith.constant 0 : index
    %get3A_1 = vector.load %arg2[%get3A, %get3A_0] : memref<1000x256xf32, #tpu.memory_space<vmem>>, vector<1000x256xf32>
    %get3A_2 = arith.constant 0 : index
    %get3A_3 = arith.constant 0 : index
    %get3A_4 = vector.load %arg3[%get3A_2, %get3A_3] : memref<256x128xf32, #tpu.memory_space<vmem>>, vector<256x128xf32>
    %dot_general3A = arith.constant dense<0.000000e+00> : vector<1000x128xf32>
    %dot_general3A_5 = tpu.matmul %get3A_1, %get3A_4, %dot_general3A {dimension_numbers = #tpu.dot_dimension_numbers<[1], [0], [0], [1], [0, 0, 1, 1], [], []>, transpose_lhs_hint = false} : vector<1000x256xf32>, vector<256x128xf32>, vector<1000x128xf32> -> vector<1000x128xf32>
    %swap3A = arith.constant 0 : index
    %swap3A_6 = arith.constant 0 : index
    %swap3A_7 = arith.constant 0 : index
    %swap3A_8 = vector.load %arg4[%swap3A, %swap3A_6, %swap3A_7] : memref<1x1000x128xf32, #tpu.memory_space<vmem>>, vector<1x1000x128xf32>
    %swap3A_9 = vector.shape_cast %swap3A_8 : vector<1x1000x128xf32> to vector<1000x128xf32>
    %swap3A_10 = vector.shape_cast %dot_general3A_5 : vector<1000x128xf32> to vector<1x1000x128xf32>
    tpu.vector_store %arg4[%swap3A, %swap3A_6, %swap3A_7], %swap3A_10 {strides = array<i32>} : memref<1x1000x128xf32, #tpu.memory_space<vmem>>, vector<1x1000x128xf32>,
    return
  }
  func.func @transform_0(%arg0: i32, %arg1: i32) -> (i32, i32) {
    %c0_i32 = arith.constant 0 : i32
    %c0_i32_0 = arith.constant 0 : i32
    return %arg0, %c0_i32 : i32, i32
  }
  func.func @transform_1(%arg0: i32, %arg1: i32) -> (i32, i32) {
    %c0_i32 = arith.constant 0 : i32
    %c0_i32_0 = arith.constant 0 : i32
    return %c0_i32, %arg1 : i32, i32
  }
  func.func @transform_2(%arg0: i32, %arg1: i32) -> (i32, i32, i32) {
    %c0_i32 = arith.constant 0 : i32
    %c0_i32_0 = arith.constant 0 : i32
    return %arg1, %arg0, %c0_i32 : i32, i32, i32
  }
}

module attributes {stable_mosaic.version = 14 : i64} {
  func.func @body(%arg0: i32, %arg1: memref<2x1000x128xf32, #tpu.memory_space<vmem>>, %arg2: memref<1000x256xf32, #tpu.memory_space<vmem>>, %arg3: memref<256x768xf32, #tpu.memory_space<vmem>>, %arg4: memref<256x768xf32, #tpu.memory_space<vmem>>, %arg5: memref<1x768xf32, #tpu.memory_space<vmem>>, %arg6: memref<1x768xf32, #tpu.memory_space<vmem>>, %arg7: memref<1000x256xf32, #tpu.memory_space<vmem>>) attributes {dimension_semantics = [#tpu.dimension_semantics<arbitrary>], iteration_bounds = array<i64: 10>, scalar_prefetch = 0 : i64, scratch_operands = 0 : i64, tpu.core_type = #tpu.core_type<tc>, window_params = [{transform_indices = @transform_0, window_bounds = array<i64: 2, 1000, 128>}, {transform_indices = @transform_1, window_bounds = array<i64: 1000, 256>}, {pipeline_mode = #tpu.pipeline_mode<synchronous>, transform_indices = @transform_2, window_bounds = array<i64: 256, 768>}, {pipeline_mode = #tpu.pipeline_mode<synchronous>, transform_indices = @transform_3, window_bounds = array<i64: 256, 768>}, {pipeline_mode = #tpu.pipeline_mode<synchronous>, transform_indices = @transform_4, window_bounds = array<i64: 1, 768>}, {pipeline_mode = #tpu.pipeline_mode<synchronous>, transform_indices = @transform_5, window_bounds = array<i64: 1, 768>}, {transform_indices = @transform_6, window_bounds = array<i64: 1000, 256>}]} {
    %get3A = arith.constant 0 : index
    %get3A_0 = arith.constant 0 : index
    %get3A_1 = arith.constant 0 : index
    %get3A_2 = vector.load %arg1[%get3A, %get3A_0, %get3A_1] : memref<2x1000x128xf32, #tpu.memory_space<vmem>>, vector<1x1000x128xf32>
    %get3A_3 = vector.shape_cast %get3A_2 : vector<1x1000x128xf32> to vector<1000x128xf32>
    %get3A_4 = arith.constant 1 : index
    %get3A_5 = arith.constant 0 : index
    %get3A_6 = arith.constant 0 : index
    %get3A_7 = vector.load %arg1[%get3A_4, %get3A_5, %get3A_6] : memref<2x1000x128xf32, #tpu.memory_space<vmem>>, vector<1x1000x128xf32>
    %get3A_8 = vector.shape_cast %get3A_7 : vector<1x1000x128xf32> to vector<1000x128xf32>
    %concatenate3A = tpu.concatenate %get3A_3, %get3A_8 in 1 : vector<1000x128xf32>, vector<1000x128xf32> -> vector<1000x256xf32>
    %get3A_9 = arith.constant 0 : index
    %get3A_10 = arith.constant 0 : index
    %get3A_11 = vector.load %arg2[%get3A_9, %get3A_10] : memref<1000x256xf32, #tpu.memory_space<vmem>>, vector<1000x256xf32>
    %get3A_12 = arith.constant 0 : index
    %get3A_13 = arith.constant 0 : index
    %get3A_14 = vector.load %arg3[%get3A_12, %get3A_13] : memref<256x768xf32, #tpu.memory_space<vmem>>, vector<256x768xf32>
    %dot_general3A = arith.constant dense<0.000000e+00> : vector<1000x768xf32>
    %dot_general3A_15 = tpu.matmul %concatenate3A, %get3A_14, %dot_general3A {dimension_numbers = #tpu.dot_dimension_numbers<[1], [0], [0], [1], [0, 0, 1, 1], [], []>, transpose_lhs_hint = false} : vector<1000x256xf32>, vector<256x768xf32>, vector<1000x768xf32> -> vector<1000x768xf32>
    %get3A_16 = arith.constant 0 : index
    %get3A_17 = arith.constant 0 : index
    %get3A_18 = vector.load %arg5[%get3A_16, %get3A_17] : memref<1x768xf32, #tpu.memory_space<vmem>>, vector<1x768xf32>
    %add3A = vector.broadcast %get3A_18 : vector<1x768xf32> to vector<1000x768xf32>
    %add3A_19 = arith.addf %dot_general3A_15, %add3A : vector<1000x768xf32>
    %get3A_20 = arith.constant 0 : index
    %get3A_21 = arith.constant 0 : index
    %get3A_22 = vector.load %arg4[%get3A_20, %get3A_21] : memref<256x768xf32, #tpu.memory_space<vmem>>, vector<256x768xf32>
    %dot_general3A_23 = arith.constant dense<0.000000e+00> : vector<1000x768xf32>
    %dot_general3A_24 = tpu.matmul %get3A_11, %get3A_22, %dot_general3A_23 {dimension_numbers = #tpu.dot_dimension_numbers<[1], [0], [0], [1], [0, 0, 1, 1], [], []>, transpose_lhs_hint = false} : vector<1000x256xf32>, vector<256x768xf32>, vector<1000x768xf32> -> vector<1000x768xf32>
    %get3A_25 = arith.constant 0 : index
    %get3A_26 = arith.constant 0 : index
    %get3A_27 = vector.load %arg6[%get3A_25, %get3A_26] : memref<1x768xf32, #tpu.memory_space<vmem>>, vector<1x768xf32>
    %add3A_28 = vector.broadcast %get3A_27 : vector<1x768xf32> to vector<1000x768xf32>
    %add3A_29 = arith.addf %dot_general3A_24, %add3A_28 : vector<1000x768xf32>
    %slice3A = vector.extract_strided_slice %add3A_19 {offsets = [0, 0], sizes = [1000, 256], strides = [1, 1]} : vector<1000x768xf32> to vector<1000x256xf32>
    %slice3A_30 = vector.extract_strided_slice %add3A_29 {offsets = [0, 0], sizes = [1000, 256], strides = [1, 1]} : vector<1000x768xf32> to vector<1000x256xf32>
    %add3A_31 = arith.addf %slice3A, %slice3A_30 : vector<1000x256xf32>
    %logistic3A = arith.negf %add3A_31 : vector<1000x256xf32>
    %logistic3A_32 = math.exp %logistic3A : vector<1000x256xf32>
    %logistic3A_33 = arith.constant 1.000000e+00 : f32
    %logistic3A_34 = vector.broadcast %logistic3A_33 : f32 to vector<1000x256xf32>
    %logistic3A_35 = arith.addf %logistic3A_34, %logistic3A_32 : vector<1000x256xf32>
    %logistic3A_36 = arith.divf %logistic3A_34, %logistic3A_35 : vector<1000x256xf32>
    %slice3A_37 = vector.extract_strided_slice %add3A_19 {offsets = [0, 256], sizes = [1000, 256], strides = [1, 1]} : vector<1000x768xf32> to vector<1000x256xf32>
    %slice3A_38 = vector.extract_strided_slice %add3A_29 {offsets = [0, 256], sizes = [1000, 256], strides = [1, 1]} : vector<1000x768xf32> to vector<1000x256xf32>
    %add3A_39 = arith.addf %slice3A_37, %slice3A_38 : vector<1000x256xf32>
    %logistic3A_40 = arith.negf %add3A_39 : vector<1000x256xf32>
    %logistic3A_41 = math.exp %logistic3A_40 : vector<1000x256xf32>
    %logistic3A_42 = arith.constant 1.000000e+00 : f32
    %logistic3A_43 = vector.broadcast %logistic3A_42 : f32 to vector<1000x256xf32>
    %logistic3A_44 = arith.addf %logistic3A_43, %logistic3A_41 : vector<1000x256xf32>
    %logistic3A_45 = arith.divf %logistic3A_43, %logistic3A_44 : vector<1000x256xf32>
    %slice3A_46 = vector.extract_strided_slice %add3A_19 {offsets = [0, 512], sizes = [1000, 256], strides = [1, 1]} : vector<1000x768xf32> to vector<1000x256xf32>
    %slice3A_47 = vector.extract_strided_slice %add3A_29 {offsets = [0, 512], sizes = [1000, 256], strides = [1, 1]} : vector<1000x768xf32> to vector<1000x256xf32>
    %mul3A = arith.mulf %logistic3A_36, %slice3A_47 : vector<1000x256xf32>
    %add3A_48 = arith.addf %slice3A_46, %mul3A : vector<1000x256xf32>
    %tanh3A = math.tanh %add3A_48 : vector<1000x256xf32>
    %sub3A = arith.constant 1.000000e+00 : f32
    %sub3A_49 = vector.broadcast %sub3A : f32 to vector<1000x256xf32>
    %sub3A_50 = arith.subf %sub3A_49, %logistic3A_45 : vector<1000x256xf32>
    %mul3A_51 = arith.mulf %sub3A_50, %tanh3A : vector<1000x256xf32>
    %mul3A_52 = arith.mulf %logistic3A_45, %get3A_11 : vector<1000x256xf32>
    %add3A_53 = arith.addf %mul3A_51, %mul3A_52 : vector<1000x256xf32>
    %max3A = arith.constant 0.000000e+00 : f32
    %max3A_54 = vector.broadcast %max3A : f32 to vector<1000x256xf32>
    %max3A_55 = arith.maximumf %add3A_53, %max3A_54 : vector<1000x256xf32>
    %swap3A = arith.constant 0 : index
    %swap3A_56 = arith.constant 0 : index
    %swap3A_57 = vector.load %arg7[%swap3A, %swap3A_56] : memref<1000x256xf32, #tpu.memory_space<vmem>>, vector<1000x256xf32>
    tpu.vector_store %arg7[%swap3A, %swap3A_56], %max3A_55 {strides = array<i32>} : memref<1000x256xf32, #tpu.memory_space<vmem>>, vector<1000x256xf32>,
    return
  }
  func.func @transform_0(%arg0: i32) -> (i32, i32, i32) {
    %c0_i32 = arith.constant 0 : i32
    %c0_i32_0 = arith.constant 0 : i32
    %c0_i32_1 = arith.constant 0 : i32
    return %c0_i32, %arg0, %c0_i32_0 : i32, i32, i32
  }
  func.func @transform_1(%arg0: i32) -> (i32, i32) {
    %c0_i32 = arith.constant 0 : i32
    %c0_i32_0 = arith.constant 0 : i32
    return %arg0, %c0_i32 : i32, i32
  }
  func.func @transform_2(%arg0: i32) -> (i32, i32) {
    %c0_i32 = arith.constant 0 : i32
    %c0_i32_0 = arith.constant 0 : i32
    %c0_i32_1 = arith.constant 0 : i32
    return %c0_i32, %c0_i32_0 : i32, i32
  }
  func.func @transform_3(%arg0: i32) -> (i32, i32) {
    %c0_i32 = arith.constant 0 : i32
    %c0_i32_0 = arith.constant 0 : i32
    %c0_i32_1 = arith.constant 0 : i32
    return %c0_i32, %c0_i32_0 : i32, i32
  }
  func.func @transform_4(%arg0: i32) -> (i32, i32) {
    %c0_i32 = arith.constant 0 : i32
    %c0_i32_0 = arith.constant 0 : i32
    %c0_i32_1 = arith.constant 0 : i32
    return %c0_i32, %c0_i32_0 : i32, i32
  }
  func.func @transform_5(%arg0: i32) -> (i32, i32) {
    %c0_i32 = arith.constant 0 : i32
    %c0_i32_0 = arith.constant 0 : i32
    %c0_i32_1 = arith.constant 0 : i32
    return %c0_i32, %c0_i32_0 : i32, i32
  }
  func.func @transform_6(%arg0: i32) -> (i32, i32) {
    %c0_i32 = arith.constant 0 : i32
    %c0_i32_0 = arith.constant 0 : i32
    return %arg0, %c0_i32 : i32, i32
  }
}

module attributes {stable_mosaic.version = 14 : i64} {
  func.func @body(%arg0: i32, %arg1: memref<2x1000x128xf32, #tpu.memory_space<vmem>>, %arg2: memref<1000x256xf32, #tpu.memory_space<vmem>>, %arg3: memref<256x768xf32, #tpu.memory_space<vmem>>, %arg4: memref<256x768xf32, #tpu.memory_space<vmem>>, %arg5: memref<1x768xf32, #tpu.memory_space<vmem>>, %arg6: memref<1x768xf32, #tpu.memory_space<vmem>>, %arg7: memref<1000x256xf32, #tpu.memory_space<vmem>>) attributes {dimension_semantics = [#tpu.dimension_semantics<arbitrary>], iteration_bounds = array<i64: 10>, scalar_prefetch = 0 : i64, scratch_operands = 0 : i64, tpu.core_type = #tpu.core_type<tc>, window_params = [{transform_indices = @transform_0, window_bounds = array<i64: 2, 1000, 128>}, {transform_indices = @transform_1, window_bounds = array<i64: 1000, 256>}, {pipeline_mode = #tpu.pipeline_mode<synchronous>, transform_indices = @transform_2, window_bounds = array<i64: 256, 768>}, {pipeline_mode = #tpu.pipeline_mode<synchronous>, transform_indices = @transform_3, window_bounds = array<i64: 256, 768>}, {pipeline_mode = #tpu.pipeline_mode<synchronous>, transform_indices = @transform_4, window_bounds = array<i64: 1, 768>}, {pipeline_mode = #tpu.pipeline_mode<synchronous>, transform_indices = @transform_5, window_bounds = array<i64: 1, 768>}, {transform_indices = @transform_6, window_bounds = array<i64: 1000, 256>}]} {
    %get3A = arith.constant 0 : index
    %get3A_0 = arith.constant 0 : index
    %get3A_1 = arith.constant 0 : index
    %get3A_2 = vector.load %arg1[%get3A, %get3A_0, %get3A_1] : memref<2x1000x128xf32, #tpu.memory_space<vmem>>, vector<1x1000x128xf32>
    %get3A_3 = vector.shape_cast %get3A_2 : vector<1x1000x128xf32> to vector<1000x128xf32>
    %get3A_4 = arith.constant 1 : index
    %get3A_5 = arith.constant 0 : index
    %get3A_6 = arith.constant 0 : index
    %get3A_7 = vector.load %arg1[%get3A_4, %get3A_5, %get3A_6] : memref<2x1000x128xf32, #tpu.memory_space<vmem>>, vector<1x1000x128xf32>
    %get3A_8 = vector.shape_cast %get3A_7 : vector<1x1000x128xf32> to vector<1000x128xf32>
    %concatenate3A = tpu.concatenate %get3A_3, %get3A_8 in 1 : vector<1000x128xf32>, vector<1000x128xf32> -> vector<1000x256xf32>
    %get3A_9 = arith.constant 0 : index
    %get3A_10 = arith.constant 0 : index
    %get3A_11 = vector.load %arg2[%get3A_9, %get3A_10] : memref<1000x256xf32, #tpu.memory_space<vmem>>, vector<1000x256xf32>
    %get3A_12 = arith.constant 0 : index
    %get3A_13 = arith.constant 0 : index
    %get3A_14 = vector.load %arg3[%get3A_12, %get3A_13] : memref<256x768xf32, #tpu.memory_space<vmem>>, vector<256x768xf32>
    %dot_general3A = arith.constant dense<0.000000e+00> : vector<1000x768xf32>
    %dot_general3A_15 = tpu.matmul %concatenate3A, %get3A_14, %dot_general3A {dimension_numbers = #tpu.dot_dimension_numbers<[1], [0], [0], [1], [0, 0, 1, 1], [], []>, transpose_lhs_hint = false} : vector<1000x256xf32>, vector<256x768xf32>, vector<1000x768xf32> -> vector<1000x768xf32>
    %get3A_16 = arith.constant 0 : index
    %get3A_17 = arith.constant 0 : index
    %get3A_18 = vector.load %arg5[%get3A_16, %get3A_17] : memref<1x768xf32, #tpu.memory_space<vmem>>, vector<1x768xf32>
    %add3A = vector.broadcast %get3A_18 : vector<1x768xf32> to vector<1000x768xf32>
    %add3A_19 = arith.addf %dot_general3A_15, %add3A : vector<1000x768xf32>
    %get3A_20 = arith.constant 0 : index
    %get3A_21 = arith.constant 0 : index
    %get3A_22 = vector.load %arg4[%get3A_20, %get3A_21] : memref<256x768xf32, #tpu.memory_space<vmem>>, vector<256x768xf32>
    %dot_general3A_23 = arith.constant dense<0.000000e+00> : vector<1000x768xf32>
    %dot_general3A_24 = tpu.matmul %get3A_11, %get3A_22, %dot_general3A_23 {dimension_numbers = #tpu.dot_dimension_numbers<[1], [0], [0], [1], [0, 0, 1, 1], [], []>, transpose_lhs_hint = false} : vector<1000x256xf32>, vector<256x768xf32>, vector<1000x768xf32> -> vector<1000x768xf32>
    %get3A_25 = arith.constant 0 : index
    %get3A_26 = arith.constant 0 : index
    %get3A_27 = vector.load %arg6[%get3A_25, %get3A_26] : memref<1x768xf32, #tpu.memory_space<vmem>>, vector<1x768xf32>
    %add3A_28 = vector.broadcast %get3A_27 : vector<1x768xf32> to vector<1000x768xf32>
    %add3A_29 = arith.addf %dot_general3A_24, %add3A_28 : vector<1000x768xf32>
    %slice3A = vector.extract_strided_slice %add3A_19 {offsets = [0, 0], sizes = [1000, 256], strides = [1, 1]} : vector<1000x768xf32> to vector<1000x256xf32>
    %slice3A_30 = vector.extract_strided_slice %add3A_29 {offsets = [0, 0], sizes = [1000, 256], strides = [1, 1]} : vector<1000x768xf32> to vector<1000x256xf32>
    %add3A_31 = arith.addf %slice3A, %slice3A_30 : vector<1000x256xf32>
    %logistic3A = arith.negf %add3A_31 : vector<1000x256xf32>
    %logistic3A_32 = math.exp %logistic3A : vector<1000x256xf32>
    %logistic3A_33 = arith.constant 1.000000e+00 : f32
    %logistic3A_34 = vector.broadcast %logistic3A_33 : f32 to vector<1000x256xf32>
    %logistic3A_35 = arith.addf %logistic3A_34, %logistic3A_32 : vector<1000x256xf32>
    %logistic3A_36 = arith.divf %logistic3A_34, %logistic3A_35 : vector<1000x256xf32>
    %slice3A_37 = vector.extract_strided_slice %add3A_19 {offsets = [0, 256], sizes = [1000, 256], strides = [1, 1]} : vector<1000x768xf32> to vector<1000x256xf32>
    %slice3A_38 = vector.extract_strided_slice %add3A_29 {offsets = [0, 256], sizes = [1000, 256], strides = [1, 1]} : vector<1000x768xf32> to vector<1000x256xf32>
    %add3A_39 = arith.addf %slice3A_37, %slice3A_38 : vector<1000x256xf32>
    %logistic3A_40 = arith.negf %add3A_39 : vector<1000x256xf32>
    %logistic3A_41 = math.exp %logistic3A_40 : vector<1000x256xf32>
    %logistic3A_42 = arith.constant 1.000000e+00 : f32
    %logistic3A_43 = vector.broadcast %logistic3A_42 : f32 to vector<1000x256xf32>
    %logistic3A_44 = arith.addf %logistic3A_43, %logistic3A_41 : vector<1000x256xf32>
    %logistic3A_45 = arith.divf %logistic3A_43, %logistic3A_44 : vector<1000x256xf32>
    %slice3A_46 = vector.extract_strided_slice %add3A_19 {offsets = [0, 512], sizes = [1000, 256], strides = [1, 1]} : vector<1000x768xf32> to vector<1000x256xf32>
    %slice3A_47 = vector.extract_strided_slice %add3A_29 {offsets = [0, 512], sizes = [1000, 256], strides = [1, 1]} : vector<1000x768xf32> to vector<1000x256xf32>
    %mul3A = arith.mulf %logistic3A_36, %slice3A_47 : vector<1000x256xf32>
    %add3A_48 = arith.addf %slice3A_46, %mul3A : vector<1000x256xf32>
    %tanh3A = math.tanh %add3A_48 : vector<1000x256xf32>
    %sub3A = arith.constant 1.000000e+00 : f32
    %sub3A_49 = vector.broadcast %sub3A : f32 to vector<1000x256xf32>
    %sub3A_50 = arith.subf %sub3A_49, %logistic3A_45 : vector<1000x256xf32>
    %mul3A_51 = arith.mulf %sub3A_50, %tanh3A : vector<1000x256xf32>
    %mul3A_52 = arith.mulf %logistic3A_45, %get3A_11 : vector<1000x256xf32>
    %add3A_53 = arith.addf %mul3A_51, %mul3A_52 : vector<1000x256xf32>
    %swap3A = arith.constant 0 : index
    %swap3A_54 = arith.constant 0 : index
    %swap3A_55 = vector.load %arg7[%swap3A, %swap3A_54] : memref<1000x256xf32, #tpu.memory_space<vmem>>, vector<1000x256xf32>
    tpu.vector_store %arg7[%swap3A, %swap3A_54], %add3A_53 {strides = array<i32>} : memref<1000x256xf32, #tpu.memory_space<vmem>>, vector<1000x256xf32>,
    return
  }
  func.func @transform_0(%arg0: i32) -> (i32, i32, i32) {
    %c0_i32 = arith.constant 0 : i32
    %c0_i32_0 = arith.constant 0 : i32
    %c0_i32_1 = arith.constant 0 : i32
    return %c0_i32, %arg0, %c0_i32_0 : i32, i32, i32
  }
  func.func @transform_1(%arg0: i32) -> (i32, i32) {
    %c0_i32 = arith.constant 0 : i32
    %c0_i32_0 = arith.constant 0 : i32
    return %arg0, %c0_i32 : i32, i32
  }
  func.func @transform_2(%arg0: i32) -> (i32, i32) {
    %c0_i32 = arith.constant 0 : i32
    %c0_i32_0 = arith.constant 0 : i32
    %c0_i32_1 = arith.constant 0 : i32
    return %c0_i32, %c0_i32_0 : i32, i32
  }
  func.func @transform_3(%arg0: i32) -> (i32, i32) {
    %c0_i32 = arith.constant 0 : i32
    %c0_i32_0 = arith.constant 0 : i32
    %c0_i32_1 = arith.constant 0 : i32
    return %c0_i32, %c0_i32_0 : i32, i32
  }
  func.func @transform_4(%arg0: i32) -> (i32, i32) {
    %c0_i32 = arith.constant 0 : i32
    %c0_i32_0 = arith.constant 0 : i32
    %c0_i32_1 = arith.constant 0 : i32
    return %c0_i32, %c0_i32_0 : i32, i32
  }
  func.func @transform_5(%arg0: i32) -> (i32, i32) {
    %c0_i32 = arith.constant 0 : i32
    %c0_i32_0 = arith.constant 0 : i32
    %c0_i32_1 = arith.constant 0 : i32
    return %c0_i32, %c0_i32_0 : i32, i32
  }
  func.func @transform_6(%arg0: i32) -> (i32, i32) {
    %c0_i32 = arith.constant 0 : i32
    %c0_i32_0 = arith.constant 0 : i32
    return %arg0, %c0_i32 : i32, i32
  }
}

</mosaic_0001>

<sc_bundles>
// kernel: kernel.15.cloned.1.call-start
scs
__scs_entry_jumppad:
0x0: {  	(pc) =	sbr.rel $0x88, $3  }
0x1: {  	(tag) =	ssettag $0x0;
	lr =	simm.s32 $0x1  }
0x2: {  	[smem:$0x3F98] =	sst lr;
	_ =	strace $0xD0000000  }
0x3: {  	_ = 	snop  }
0x4: {  	_ = 	snop  }
0x5: {  	_ = 	snop  }
0x6: {  	_ = 	snop  }
0x7: {  	_ = 	snop  }
__scs_overlays_trampoline_lowered:
0x8: {  	[smem:$0x3FA7] =	sst s0  }
0x9: {  	[smem:$0x3FA8] =	sst s1  }
0xa: {  	[smem:$0x3FA9] =	sst s2  }
0xb: {  	[smem:$0x3FAA] =	sst s3  }
0xc: {  	[smem:$0x3FAB] =	sst s4  }
0xd: {  	[smem:$0x3FAC] =	sst s5  }
0xe: {  	[smem:$0x3FAD] =	sst s6  }
0xf: {  	[smem:$0x3FAE] =	sst s7  }
0x10: {  	[smem:$0x3FAF] =	sst s8  }
0x11: {  	[smem:$0x3FB0] =	sst s9;
	s0 =	simm.s32 @!p0 $0x0  }
0x12: {  	s1 =	sld [smem:$0x3F96];
	s0 =	simm.s32 @p0 $0x1  }
0x13: {  	[smem:$0x3FB1] =	sst s0;
	s0 =	simm.s32 @!p1 $0x0  }
0x14: {  	s2 =	sld [smem:$0x3F95];
	s0 =	simm.s32 @p1 $0x1  }
0x15: {  	[smem:$0x3FB2] =	sst s0;
	s0 =	simm.s32 @!p2 $0x0  }
0x16: {  	s3 =	sld [smem:$0x3FDB];
	s0 =	simm.s32 @p2 $0x1  }
0x17: {  	s4 =	simm.s32 $0x1BF5;
	[smem:$0x3FB4] =	sst s0  }
0x18: {  	s0 =	sld [smem:$0x3F97];
	_ =	swait.ge [sflag:s4], $0x0  }
0x19: {  	s7 =	sld [smem:$0x3F98]  }
0x1a: {  	s8 =	sadd.s32 $0xFFFFE003, lr  }
0x1b: {  	s9 =	sadd.s32 $0xFFFFFEF7, lr;
	s5 =	simm.s32 $0xFFFFFFFF;
	p2 =	slt.u32 s8, $0xFFFFF086  }
0x1c: {  	p1 =	slt.u32 s9, $0xF7A;
	s5 =	simm.s32 @!p2 $0x0  }
0x1d: {  	s5 =	simm.s32 @p1 $0x1;
	p0 =	seq.s32 s7, s2  }
0x1e: {  	s7 =	smul.u32 @!p0 $0xF7A, s2;
	p2 =	seq.s32 @!p0 s5, $0x0  }
0x1f: {  	s9 =	smul.u32 $0xF7A, s1;
	s8 =	simm.s32 @!p0 $0x1BF5;
	p2 =	por !p2, p0  }
0x20: {  	[sflag:s8] =	ssyncset.s32 @!p0 $0xFFFFF086;
	s6 =	sadd.s32 @!p0 s3, s7;
	s7 =	simm.s32 @!p0 $0x108  }
0x21: {  	s3 =	sadd.s32 s3, s9;
	s6 =	sadd.s32 @!p0 $0x88, s6;
	s7 =	simm.s32 @p2 $0x1082  }
0x22: {  	[simem:s7], [sflag:s8] =	dma.local @!p0 [hbm:s6], $0xF7A  }
0x23: {  	s9 =	sor.u32 $0xD0000000, s2;
	s6 =	simm.s32 $0x108;
	_ =	swait.ge @!p0 [sflag:s8], $0x0  }
0x24: {  	s3 =	sadd.s32 $0x88, s3;
	s6 =	simm.s32 @!p1 $0x1082;
	[sflag:s4] =	ssyncset.s32 $0xFFFFF086  }
0x25: {  	[simem:s6], [sflag:s4] =	dma.local [hbm:s3], $0xF7A  }
0x26: {  	[smem:$0x3F98] =	sst s1;
	(tag) =	ssettag s2;
	_ =	strace s9  }
0x27: {  	s1 =	sld [smem:$0x3FA8]  }
0x28: {  	s2 =	sld [smem:$0x3FA9]  }
0x29: {  	s4 =	sld [smem:$0x3FAB]  }
0x2a: {  	p0 =	seq.s32 s5, $0x0;
	s5 =	sld [smem:$0x3FAC]  }
0x2b: {  	s6 =	sld [smem:$0x3FAD]  }
0x2c: {  	s7 =	sld [smem:$0x3FAE]  }
0x2d: {  	s3 =	simm.s32 $0x108;
	s8 =	sld [smem:$0x3FAF]  }
0x2e: {  	s3 =	simm.s32 @!p0 $0x1082;
	s9 =	sld [smem:$0x3FB0]  }
0x2f: {  	lr =	sadd.s32 s0, s3;
	s0 =	sld [smem:$0x3FA7]  }
0x30: {  	s3 =	sld [smem:$0x3FAA]  }
0x31: {  	[smem:$0x3FB3] =	sst s10  }
0x32: {  	s10 =	sld [smem:$0x3FB1];
	_ =	sdelay $0x3  }
0x33: {  	p0 =	seq.s32 s10, $0x1;
	s10 =	sld [smem:$0x3FB3];
	_ =	sdelay $0x3  }
0x34: {  	[smem:$0x3FB3] =	sst s10  }
0x35: {  	s10 =	sld [smem:$0x3FB2];
	_ =	sdelay $0x3  }
0x36: {  	p1 =	seq.s32 s10, $0x1;
	s10 =	sld [smem:$0x3FB3];
	_ =	sdelay $0x3  }
0x37: {  	[smem:$0x3FB3] =	sst s10  }
0x38: {  	s10 =	sld [smem:$0x3FB4]  }
0x39: {  	_ = 	snop;
	(pc) =	sbr.ind lr, $3  }
0x3a: {  	_ = 	snop  }
0x3b: {  	_ = 	snop  }
0x3c: {  	p2 =	seq.s32 s10, $0x1;
	s10 =	sld [smem:$0x3FB3]  }
0x3d: {  	_ =	shalt  }
0x3e: {  	_ =	shalt  }
0x3f: {  	_ =	shalt  }
0x40: {  	_ =	shalt  }
0x41: {  	_ =	shalt  }
0x42: {  	_ =	shalt  }
0x43: {  	_ =	shalt  }
0x44: {  	_ =	shalt  }
0x45: {  	_ =	shalt  }
0x46: {  	_ =	shalt  }
0x47: {  	_ =	shalt  }
0x48: {  	_ =	shalt  }
0x49: {  	_ =	shalt  }
0x4a: {  	_ =	shalt  }
0x4b: {  	_ =	shalt  }
0x4c: {  	_ =	shalt  }
0x4d: {  	_ =	shalt  }
0x4e: {  	_ =	shalt  }
0x4f: {  	_ =	shalt  }
0x50: {  	_ =	shalt  }
0x51: {  	_ =	shalt  }
0x52: {  	_ =	shalt  }
0x53: {  	_ =	shalt  }
0x54: {  	_ =	shalt  }
0x55: {  	_ =	shalt  }
0x56: {  	_ =	shalt  }
0x57: {  	_ =	shalt  }
0x58: {  	_ =	shalt  }
0x59: {  	_ =	shalt  }
0x5a: {  	_ =	shalt  }
0x5b: {  	_ =	shalt  }
0x5c: {  	_ =	shalt  }
0x5d: {  	_ =	shalt  }
0x5e: {  	_ =	shalt  }
0x5f: {  	_ =	shalt  }
0x60: {  	_ =	shalt  }
0x61: {  	_ =	shalt  }
0x62: {  	_ =	shalt  }
0x63: {  	_ =	shalt  }
0x64: {  	_ =	shalt  }
0x65: {  	_ =	shalt  }
0x66: {  	_ =	shalt  }
0x67: {  	_ =	shalt  }
0x68: {  	_ =	shalt  }
0x69: {  	_ =	shalt  }
0x6a: {  	_ =	shalt  }
0x6b: {  	_ =	shalt  }
0x6c: {  	_ =	shalt  }
0x6d: {  	_ =	shalt  }
0x6e: {  	_ =	shalt  }
0x6f: {  	_ =	shalt  }
0x70: {  	_ =	shalt  }
0x71: {  	_ =	shalt  }
0x72: {  	_ =	shalt  }
0x73: {  	_ =	shalt  }
0x74: {  	_ =	shalt  }
0x75: {  	_ =	shalt  }
0x76: {  	_ =	shalt  }
0x77: {  	_ =	shalt  }
0x78: {  	_ =	shalt  }
0x79: {  	_ =	shalt  }
0x7a: {  	_ =	shalt  }
0x7b: {  	_ =	shalt  }
0x7c: {  	_ =	shalt  }
0x7d: {  	_ =	shalt  }
0x7e: {  	_ =	shalt  }
0x7f: {  	_ =	shalt  }
0x80: {  	_ =	shalt  }
0x81: {  	_ =	shalt  }
0x82: {  	_ =	shalt  }
0x83: {  	_ =	shalt  }
0x84: {  	_ =	shalt  }
0x85: {  	_ =	shalt  }
0x86: {  	_ =	shalt  }
0x87: {  	_ =	shalt  }
.Lfunc_end0:
.L_simem_size_0:
called_computation_lowered:
.L_overlay_start_0:
0x88: {  	s2 =	sld [smem:$0x3FD9]  }
0x89: {  	s3 =	sld [smem:$0x3FFE];
	_ =	sdelay $0x1  }
0x8a: {  	s1 =	srdreg.scid  }
0x8b: {  	s0 =	sand.u32 $0x1, s1  }
0x8c: {  	s17 =	sshll.u32 s0, $0xA;
	s2 =	sadd.s32 s3, s2  }
0x8d: {  	s2 =	sadd.s32 s2, s17  }
0x8e: {  	[smem:$0x3FBF] =	sst s2  }
0x8f: {  	_ = 	snop  }
0x90: {  	s2 =	sld [smem:$0x3FD0];
	(tm) =	ssettm $0x1  }
0x91: {  	s18 =	sld [smem:$0x3FFB];
	_ =	sdelay $0x3  }
0x92: {  	_ =	strace s18  }
0x93: {  	s3 =	sld [smem:$0x3FFC];
	_ =	sdelay $0x3  }
0x94: {  	_ =	strace s3  }
0x95: {  	s3 =	sld [smem:$0x3FFD];
	_ =	sdelay $0x3  }
0x96: {  	_ =	strace s3  }
0x97: {  	_ =	strace $0x8FFFFFFF  }
0x98: {  	s19 =	sld [smem:$0x3FDB];
	_ =	sdelay $0x1  }
0x99: {  	s4 =	simm.s32 $_scs_section_size  }
0x9a: {  	s5 =	simm.s32 $_size__tile_overlayer_lowered;
	s6 =	simm.s32 $_tile_overlayer_lowered  }
0x9b: {  	s22 =	simm.s32 $0x1BFF;
	s21 =	sshll.u32 s6, $0x1;
	s3 =	sadd.s32 s4, s19  }
0x9c: {  	s7 =	simm.s32 $0x0;
	s20 =	sshll.u32 s5, $0x1;
	s5 =	sadd.s32 s21, s3  }
0x9d: {  	[timem:s7], [sflag:s22] =	dma.local [hbm:s5], s20  }
0x9e: {  	_ =	swait.ge [sflag:s22], s20  }
0x9f: {  	s4 =	ssub.s32 $0x0, s20;
	[sflag:s22] =	ssyncset.done $0x0  }
0xa0: {  	[sflag:s22] =	ssyncadd.s32 s4;
	_ =	sdelay $0x1  }
0xa1: {  	s23 =	simm.s32 $0x1B8B  }
0xa2: {  	_ =	swait.ge [sflag:s23], $0x1  }
0xa3: {  	[sflag:s23] =	ssyncset.done $0x0  }
0xa4: {  	s25 =	simm.s32 $0x1B8E;
	s24 =	sld [smem:$0x3FFE];
	[sflag:s23] =	ssyncadd.s32 $0xFFFFFFFF  }
0xa5: {  	s26 =	simm.s32 $execute0_lowered;
	[smem:$0x3FD2] =	sst s25  }
0xa6: {  	s5 =	sshll.u32 s26, $0x1;
	_ =	strace $0x80000046;
	[dreg:$0x1] =	wrdreg $0xFFFFFFFF  }
0xa7: {  	s28 =	simm.s32 $_size_execute0_lowered;
	s3 =	sadd.s32 s3, s5;
	[dreg:$0x0] =	wrdreg $0x0  }
0xa8: {  	s5 =	sshll.u32 s28, $0x1;
	[dreg:$0x2] =	wrdreg s3  }
0xa9: {  	[dreg:$0x3] =	wrdreg s5  }
0xaa: {  	[dreg:$0x4] =	wrdreg $0xC0  }
0xab: {  	_ =	task [dreg:s7], $0x5FFFF  }
0xac: {  	[dreg:$0x1] =	wrdreg $0xFFFFFFFF  }
0xad: {  	[dreg:$0x0] =	wrdreg $0x60  }
0xae: {  	[dreg:$0x2] =	wrdreg s24  }
0xaf: {  	[dreg:$0x3] =	wrdreg s2  }
0xb0: {  	[dreg:$0x4] =	wrdreg $0x41000  }
0xb1: {  	[dreg:$0x5] =	wrdreg $0x9  }
0xb2: {  	_ =	task.clear_ibuf [dreg:s7], $0x6FFFF;
	_ =	strace $0x90000046  }
0xb3: {  	s29 =	simm.s32 $0x9;
	_ =	strace $0x80000048  }
0xb4: {  	_ =	swait.ge [sflag:s29], $0x1  }
0xb5: {  	[sflag:s29] =	ssyncadd.s32 $0xFFFFFFFF  }
0xb6: {  	_ =	strace $0x90000048  }
0xb7: {  	_ =	sfence  }
0xb8: {  	s30 =	sld [smem:$0x0];
	_ =	sdelay $0x2  }
0xb9: {  	s31 =	sshll.u32 s1, $0xD;
	s1 =	sshrl.u32 s1, $0x2  }
0xba: {  	s3 =	sand.u32 $0x4000, s31;
	s1 =	sadd.s32 s1, s30  }
0xbb: {  	s0 =	sor.u32 s3, s0;
	s1 =	sshll.u32 s1, $0x11  }
0xbc: {  	s0 =	sor.u32 s1, s0  }
0xbd: {  	s0 =	sadd.s32 $0x8F2B, s0  }
0xbe: {  	[sflag:s0] =	ssyncadd.remote.s32 $0x1  }
0xbf: {  	_ =	sfence.sel $0xFFFF  }
0xc0: {  	[dreg:$0x0] =	wrdreg $0xFFFFFFFF;
	(pc) =	sbr.abs _section_cstart, $3  }
0xc1: {  	[dreg:$0x1] =	wrdreg $0xFFFFFFFF  }
0xc2: {  	_ =	task.clear_ibuf [dreg:s7], $0x2FFFF;
	_ =	strace $0x9FFFFFFF  }
0xc3: {  	(tm) =	ssettm $0x7FFFFFFF  }
tec
execute0_lowered:
.L_overlay_start_1:
0x0: {  	(tag) =	ssettag $0x1  }
0x1: {  	s6 =	rddreg [dreg:$0x0]  }
0x2: {  	s10 =	rddreg [dreg:$0x1]  }
0x3: {  	s2 =	rddreg [dreg:$0x2]  }
0x4: {  	s0 =	rddreg [dreg:$0x3];
	s1 =	stileid.u32  }
0x5: {  	s4 =	srdreg.scid;
	s3 =	simm.s32 $0x0;
	s5 =	smul.u32 $0x9D0, s1  }
0x6: {  	s15 =	simm.s32 $0x1;
	s16 =	simm.s32 $0x0;
	s9 =	smul.u32 $0x13C00, s1  }
0x7: {  	s7 =	sand.u32 $0x1, s4;
	[smem:$0x7FF] =	sst s3;
	s12 =	smul.u32 $0x4F000, s1  }
0x8: {  	s4 =	sadd.s32 $0x10400, s6;
	s13 =	smul.u32 $0x4E80, s1;
	s31 =	sshll.u32 s1, $0x6  }
0x9: {  	s8 =	smul.u32 $0x13C000, s7;
	_ =	strace $0x80000047;
	s29 =	ssub.s32 $0x2, s7  }
0xa: {  	s7 =	smul.u32 $0x4E800, s7;
	s11 =	sadd.s32 s5, s6;
	s5 =	sadd.s32 $0xDC00, s6  }
0xb: {  	s14 =	sshrl.u32 s29, $0x1;
	s30 =	sshrl.u32 s12, $0x2;
	s8 =	sadd.s32 s9, s8  }
0xc: {  	s9 =	ssub.s32 s29, s14;
	s12 =	sadd.s32 s30, s2;
	s13 =	sadd.s32 s13, s7  }
0xd: {  	s14 =	simm.s32 $0x100;
	s8 =	sshrl.u32 s8, $0x3;
	s13 =	sshrl.u32 s13, $0x3  }
0xe: {  	s8 =	sadd.s32 s8, s6;
	s6 =	sor.u32 $0x1C02, s31;
	s10 =	sadd.s32 s13, s10  }
0xf: {  	s13 =	simm.s32 $0x80;
	s7 =	sadd.s32 $0x10600, s8;
	s8 =	smax.u32 s9, $0x1  }
0x10: {  	s9 =	sadd.s32 $0x3E00, s11;
	s11 =	sshrl.u32 s12, $0x3;
	s12 =	simm.s32 $0x2  }
.LBB2_1:
0x11: {  	[spmem:s11], [sflag:s6] =	dma.local [hbm:s5], $0x2780  }
0x12: {  	_ =	swait.ge [sflag:s12], $0x2780  }
0x13: {  	[sflag:s12] =	ssyncset.done $0x0  }
0x14: {  	[sflag:s12] =	ssyncadd.s32 $0xFFFFD880  }
0x15: {  	s17 =	sadd.s32 $0x0, s10;
	[bflag:$0x0] =	sbarrier.arrive $0xFFFF  }
0x16: {  	[tilespmem:s3], [sflag:$0x2] =	stream.linear.gather [hbm4b:s17+s3], $0x80, $0x38;
	[tilespmem:$0x17D00] =	vst v63  }
0x17: {  	_ =	swait.ge [sflag:s12], $0x80  }
0x18: {  	[sflag:s12] =	ssyncset.done $0x0  }
0x19: {  	s31 =	sadd.s32 $0x0, s9;
	[sflag:s12] =	ssyncadd.s32 $0xFFFFFF80  }
0x1a: {  	[tilespmem:s13], [sflag:$0x2] =	stream.linear.gather [hbm4b:s31+s3], $0x80, $0x38;
	[tilespmem:$0x17D00] =	vst v63  }
0x1b: {  	_ =	swait.ge [sflag:s12], $0x80  }
0x1c: {  	s17 =	simm.s32 $0x10;
	[sflag:s12] =	ssyncset.done $0x0  }
.LBB2_2:
0x1d: {  	p0 =	sne.s32 s17, $0x9C0;
	[sflag:s12] =	ssyncadd.s32 $0xFFFFFF80  }
0x1e: {  	[tilespmem:s14], [sflag:$0x1] =	stream.indirect.gather [hbm4b:s4+s13], $0x80, s3, s13, $0xb8;
	[tilespmem:$0x17D00] =	vst v63  }
0x1f: {  	_ =	swait.ge [sflag:s15], $0x4000  }
0x20: {  	[sflag:s15] =	ssyncset.done $0x0  }
0x21: {  	[sflag:s15] =	ssyncadd.s32 $0xFFFFC000  }
0x22: {  	[spmem:s2] =	stream.indirect.scatter.add.f32 [tilespmem:s14], [sflag:$0x2], $0x80, s13, s13, $0xb8;
	[tilespmem:$0x17D00] =	vst v63  }
0x23: {  	_ =	swait.ge [sflag:s12], $0x4000  }
0x24: {  	[sflag:s12] =	ssyncset.done $0x0  }
0x25: {  	s18 =	sadd.s32 s17, s10;
	[sflag:s12] =	ssyncadd.s32 $0xFFFFC000  }
0x26: {  	[tilespmem:s3], [sflag:$0x2] =	stream.linear.gather [hbm4b:s18+s3], $0x80, $0x38;
	[tilespmem:$0x17D00] =	vst v63  }
0x27: {  	_ =	swait.ge [sflag:s12], $0x80  }
.Ltmp0:
0x28: {  	[sflag:s12] =	ssyncset.done $0x0;
	(pc) =	sbr.rel @p0 .LBB2_2-.Ltmp0, $4  }
0x29: {  	s18 =	sadd.s32 s17, s9;
	[sflag:s12] =	ssyncadd.s32 $0xFFFFFF80  }
0x2a: {  	[tilespmem:s13], [sflag:$0x2] =	stream.linear.gather [hbm4b:s18+s3], $0x80, $0x38;
	[tilespmem:$0x17D00] =	vst v63  }
0x2b: {  	_ =	swait.ge [sflag:s12], $0x80  }
0x2c: {  	s17 =	sadd.s32 $0x10, s17;
	[sflag:s12] =	ssyncset.done $0x0  }
0x2d: {  	[sflag:s12] =	ssyncadd.s32 $0xFFFFFF80  }
0x2e: {  	[tilespmem:s14], [sflag:$0x1] =	stream.indirect.gather [hbm4b:s4+s13], $0x80, s3, s13, $0xb8;
	[tilespmem:$0x17D00] =	vst v63  }
0x2f: {  	_ =	swait.ge [sflag:s15], $0x4000  }
0x30: {  	[sflag:s15] =	ssyncset.done $0x0  }
0x31: {  	[sflag:s15] =	ssyncadd.s32 $0xFFFFC000  }
0x32: {  	[spmem:s2] =	stream.indirect.scatter.add.f32 [tilespmem:s14], [sflag:$0x2], $0x80, s13, s13, $0xb8;
	[tilespmem:$0x17D00] =	vst v63  }
0x33: {  	_ =	swait.ge [sflag:s12], $0x4000  }
0x34: {  	s16 =	sadd.s32 $0x1, s16;
	[sflag:s12] =	ssyncset.done $0x0  }
0x35: {  	p0 =	sne.s32 s16, s8;
	[sflag:s12] =	ssyncadd.s32 $0xFFFFC000  }
.Ltmp1:
0x36: {  	[bflag:$0x0] =	sbarrier.arrive $0xFFFF;
	(pc) =	sbr.rel @p0 .LBB2_1-.Ltmp1, $4  }
0x37: {  	[hbm:s7], [sflag:s6] =	dma.local [spmem:s11], $0x2780  }
0x38: {  	_ =	swait.ge [sflag:s12], $0x2780  }
0x39: {  	[sflag:s12] =	ssyncset.done $0x0  }
0x3a: {  	[sflag:s12] =	ssyncadd.s32 $0xFFFFD880  }
0x3b: {  	_ =	sfence.sel $0x180000  }
0x3c: {  	[bflag:$0x0] =	sbarrier.arrive $0xFFFF  }
0x3d: {  	p0 =	sne.s32 s1, $0x0;
	_ =	strace $0x90000047  }
0x3e: {  	s0 =	sadd.s32 @!p0 $0x100000, s0;
	[bflag:$0x2] =	sbarrier.arrive $0xFFFF  }
0x3f: {  	[sflag:s0] =	ssyncadd.tile.s32 @!p0 $0x1;
	_ =	shalt  }
.Lfunc_end2:
_tile_overlayer_lowered:
.L_overlay_start_2:
0x40: {  	(tag) =	ssettag $0x2  }
0x41: {  	s0 =	rddreg [dreg:$0x0];
	s2 =	stileid.u32  }
0x42: {  	s1 =	rddreg [dreg:$0x1];
	p0 =	sne.s32 s2, $0x0  }
0x43: {  	s3 =	rddreg [dreg:$0x2];
	[bflag:$0x3] =	sbarrier.arrive $0xFFFF;
	s2 =	simm.s32 @!p0 $0x1C02  }
0x44: {  	[timem:s3], [sflag:s2] =	dma.local @!p0 [hbm:s0], s1  }
0x45: {  	s0 =	simm.s32 @!p0 $0x2  }
0x46: {  	_ =	swait.ge @!p0 [sflag:s0], s1  }
0x47: {  	s1 =	ssub.s32 @!p0 $0x0, s1;
	[sflag:s0] =	ssyncset.done @!p0 $0x0  }
0x48: {  	[sflag:s0] =	ssyncadd.s32 @!p0 s1  }
0x49: {  	[bflag:$0x3] =	sbarrier.arrive $0xFFFF  }
0x4a: {  	_ =	shalt  }

// kernel: kernel.18.cloned.1.call-start
scs
__scs_entry_jumppad:
0x0: {  	(pc) =	sbr.rel $0x88, $3  }
0x1: {  	(tag) =	ssettag $0x0;
	lr =	simm.s32 $0x1  }
0x2: {  	[smem:$0x3F98] =	sst lr;
	_ =	strace $0xD0000000  }
0x3: {  	_ = 	snop  }
0x4: {  	_ = 	snop  }
0x5: {  	_ = 	snop  }
0x6: {  	_ = 	snop  }
0x7: {  	_ = 	snop  }
__scs_overlays_trampoline_lowered:
0x8: {  	[smem:$0x3FA7] =	sst s0  }
0x9: {  	[smem:$0x3FA8] =	sst s1  }
0xa: {  	[smem:$0x3FA9] =	sst s2  }
0xb: {  	[smem:$0x3FAA] =	sst s3  }
0xc: {  	[smem:$0x3FAB] =	sst s4  }
0xd: {  	[smem:$0x3FAC] =	sst s5  }
0xe: {  	[smem:$0x3FAD] =	sst s6  }
0xf: {  	[smem:$0x3FAE] =	sst s7  }
0x10: {  	[smem:$0x3FAF] =	sst s8  }
0x11: {  	[smem:$0x3FB0] =	sst s9;
	s0 =	simm.s32 @!p0 $0x0  }
0x12: {  	s1 =	sld [smem:$0x3F96];
	s0 =	simm.s32 @p0 $0x1  }
0x13: {  	[smem:$0x3FB1] =	sst s0;
	s0 =	simm.s32 @!p1 $0x0  }
0x14: {  	s2 =	sld [smem:$0x3F95];
	s0 =	simm.s32 @p1 $0x1  }
0x15: {  	[smem:$0x3FB2] =	sst s0;
	s0 =	simm.s32 @!p2 $0x0  }
0x16: {  	s3 =	sld [smem:$0x3FDB];
	s0 =	simm.s32 @p2 $0x1  }
0x17: {  	s4 =	simm.s32 $0x1BF5;
	[smem:$0x3FB4] =	sst s0  }
0x18: {  	s0 =	sld [smem:$0x3F97];
	_ =	swait.ge [sflag:s4], $0x0  }
0x19: {  	s7 =	sld [smem:$0x3F98]  }
0x1a: {  	s8 =	sadd.s32 $0xFFFFE003, lr  }
0x1b: {  	s9 =	sadd.s32 $0xFFFFFEF7, lr;
	s5 =	simm.s32 $0xFFFFFFFF;
	p2 =	slt.u32 s8, $0xFFFFF086  }
0x1c: {  	p1 =	slt.u32 s9, $0xF7A;
	s5 =	simm.s32 @!p2 $0x0  }
0x1d: {  	s5 =	simm.s32 @p1 $0x1;
	p0 =	seq.s32 s7, s2  }
0x1e: {  	s7 =	smul.u32 @!p0 $0xF7A, s2;
	p2 =	seq.s32 @!p0 s5, $0x0  }
0x1f: {  	s9 =	smul.u32 $0xF7A, s1;
	s8 =	simm.s32 @!p0 $0x1BF5;
	p2 =	por !p2, p0  }
0x20: {  	[sflag:s8] =	ssyncset.s32 @!p0 $0xFFFFF086;
	s6 =	sadd.s32 @!p0 s3, s7;
	s7 =	simm.s32 @!p0 $0x108  }
0x21: {  	s3 =	sadd.s32 s3, s9;
	s6 =	sadd.s32 @!p0 $0x88, s6;
	s7 =	simm.s32 @p2 $0x1082  }
0x22: {  	[simem:s7], [sflag:s8] =	dma.local @!p0 [hbm:s6], $0xF7A  }
0x23: {  	s9 =	sor.u32 $0xD0000000, s2;
	s6 =	simm.s32 $0x108;
	_ =	swait.ge @!p0 [sflag:s8], $0x0  }
0x24: {  	s3 =	sadd.s32 $0x88, s3;
	s6 =	simm.s32 @!p1 $0x1082;
	[sflag:s4] =	ssyncset.s32 $0xFFFFF086  }
0x25: {  	[simem:s6], [sflag:s4] =	dma.local [hbm:s3], $0xF7A  }
0x26: {  	[smem:$0x3F98] =	sst s1;
	(tag) =	ssettag s2;
	_ =	strace s9  }
0x27: {  	s1 =	sld [smem:$0x3FA8]  }
0x28: {  	s2 =	sld [smem:$0x3FA9]  }
0x29: {  	s4 =	sld [smem:$0x3FAB]  }
0x2a: {  	p0 =	seq.s32 s5, $0x0;
	s5 =	sld [smem:$0x3FAC]  }
0x2b: {  	s6 =	sld [smem:$0x3FAD]  }
0x2c: {  	s7 =	sld [smem:$0x3FAE]  }
0x2d: {  	s3 =	simm.s32 $0x108;
	s8 =	sld [smem:$0x3FAF]  }
0x2e: {  	s3 =	simm.s32 @!p0 $0x1082;
	s9 =	sld [smem:$0x3FB0]  }
0x2f: {  	lr =	sadd.s32 s0, s3;
	s0 =	sld [smem:$0x3FA7]  }
0x30: {  	s3 =	sld [smem:$0x3FAA]  }
0x31: {  	[smem:$0x3FB3] =	sst s10  }
0x32: {  	s10 =	sld [smem:$0x3FB1];
	_ =	sdelay $0x3  }
0x33: {  	p0 =	seq.s32 s10, $0x1;
	s10 =	sld [smem:$0x3FB3];
	_ =	sdelay $0x3  }
0x34: {  	[smem:$0x3FB3] =	sst s10  }
0x35: {  	s10 =	sld [smem:$0x3FB2];
	_ =	sdelay $0x3  }
0x36: {  	p1 =	seq.s32 s10, $0x1;
	s10 =	sld [smem:$0x3FB3];
	_ =	sdelay $0x3  }
0x37: {  	[smem:$0x3FB3] =	sst s10  }
0x38: {  	s10 =	sld [smem:$0x3FB4]  }
0x39: {  	_ = 	snop;
	(pc) =	sbr.ind lr, $3  }
0x3a: {  	_ = 	snop  }
0x3b: {  	_ = 	snop  }
0x3c: {  	p2 =	seq.s32 s10, $0x1;
	s10 =	sld [smem:$0x3FB3]  }
0x3d: {  	_ =	shalt  }
0x3e: {  	_ =	shalt  }
0x3f: {  	_ =	shalt  }
0x40: {  	_ =	shalt  }
0x41: {  	_ =	shalt  }
0x42: {  	_ =	shalt  }
0x43: {  	_ =	shalt  }
0x44: {  	_ =	shalt  }
0x45: {  	_ =	shalt  }
0x46: {  	_ =	shalt  }
0x47: {  	_ =	shalt  }
0x48: {  	_ =	shalt  }
0x49: {  	_ =	shalt  }
0x4a: {  	_ =	shalt  }
0x4b: {  	_ =	shalt  }
0x4c: {  	_ =	shalt  }
0x4d: {  	_ =	shalt  }
0x4e: {  	_ =	shalt  }
0x4f: {  	_ =	shalt  }
0x50: {  	_ =	shalt  }
0x51: {  	_ =	shalt  }
0x52: {  	_ =	shalt  }
0x53: {  	_ =	shalt  }
0x54: {  	_ =	shalt  }
0x55: {  	_ =	shalt  }
0x56: {  	_ =	shalt  }
0x57: {  	_ =	shalt  }
0x58: {  	_ =	shalt  }
0x59: {  	_ =	shalt  }
0x5a: {  	_ =	shalt  }
0x5b: {  	_ =	shalt  }
0x5c: {  	_ =	shalt  }
0x5d: {  	_ =	shalt  }
0x5e: {  	_ =	shalt  }
0x5f: {  	_ =	shalt  }
0x60: {  	_ =	shalt  }
0x61: {  	_ =	shalt  }
0x62: {  	_ =	shalt  }
0x63: {  	_ =	shalt  }
0x64: {  	_ =	shalt  }
0x65: {  	_ =	shalt  }
0x66: {  	_ =	shalt  }
0x67: {  	_ =	shalt  }
0x68: {  	_ =	shalt  }
0x69: {  	_ =	shalt  }
0x6a: {  	_ =	shalt  }
0x6b: {  	_ =	shalt  }
0x6c: {  	_ =	shalt  }
0x6d: {  	_ =	shalt  }
0x6e: {  	_ =	shalt  }
0x6f: {  	_ =	shalt  }
0x70: {  	_ =	shalt  }
0x71: {  	_ =	shalt  }
0x72: {  	_ =	shalt  }
0x73: {  	_ =	shalt  }
0x74: {  	_ =	shalt  }
0x75: {  	_ =	shalt  }
0x76: {  	_ =	shalt  }
0x77: {  	_ =	shalt  }
0x78: {  	_ =	shalt  }
0x79: {  	_ =	shalt  }
0x7a: {  	_ =	shalt  }
0x7b: {  	_ =	shalt  }
0x7c: {  	_ =	shalt  }
0x7d: {  	_ =	shalt  }
0x7e: {  	_ =	shalt  }
0x7f: {  	_ =	shalt  }
0x80: {  	_ =	shalt  }
0x81: {  	_ =	shalt  }
0x82: {  	_ =	shalt  }
0x83: {  	_ =	shalt  }
0x84: {  	_ =	shalt  }
0x85: {  	_ =	shalt  }
0x86: {  	_ =	shalt  }
0x87: {  	_ =	shalt  }
.Lfunc_end0:
.L_simem_size_0:
called_computation.1_lowered:
.L_overlay_start_0:
0x88: {  	s2 =	sld [smem:$0x3FD9]  }
0x89: {  	s3 =	sld [smem:$0x3FFE];
	_ =	sdelay $0x1  }
0x8a: {  	s1 =	srdreg.scid  }
0x8b: {  	s0 =	sand.u32 $0x1, s1  }
0x8c: {  	s17 =	sshll.u32 s0, $0xA;
	s2 =	sadd.s32 s3, s2  }
0x8d: {  	s2 =	sadd.s32 s2, s17  }
0x8e: {  	[smem:$0x3FBF] =	sst s2  }
0x8f: {  	_ = 	snop  }
0x90: {  	s2 =	sld [smem:$0x3FD0];
	(tm) =	ssettm $0x1  }
0x91: {  	s18 =	sld [smem:$0x3FFB];
	_ =	sdelay $0x3  }
0x92: {  	_ =	strace s18  }
0x93: {  	s3 =	sld [smem:$0x3FFC];
	_ =	sdelay $0x3  }
0x94: {  	_ =	strace s3  }
0x95: {  	s3 =	sld [smem:$0x3FFD];
	_ =	sdelay $0x3  }
0x96: {  	_ =	strace s3  }
0x97: {  	_ =	strace $0x8FFFFFFF  }
0x98: {  	s19 =	sld [smem:$0x3FDB];
	_ =	sdelay $0x1  }
0x99: {  	s4 =	simm.s32 $_scs_section_size  }
0x9a: {  	s5 =	simm.s32 $_size__tile_overlayer_lowered;
	s6 =	simm.s32 $_tile_overlayer_lowered  }
0x9b: {  	s22 =	simm.s32 $0x1BFF;
	s21 =	sshll.u32 s6, $0x1;
	s3 =	sadd.s32 s4, s19  }
0x9c: {  	s7 =	simm.s32 $0x0;
	s20 =	sshll.u32 s5, $0x1;
	s5 =	sadd.s32 s21, s3  }
0x9d: {  	[timem:s7], [sflag:s22] =	dma.local [hbm:s5], s20  }
0x9e: {  	_ =	swait.ge [sflag:s22], s20  }
0x9f: {  	s4 =	ssub.s32 $0x0, s20;
	[sflag:s22] =	ssyncset.done $0x0  }
0xa0: {  	[sflag:s22] =	ssyncadd.s32 s4;
	_ =	sdelay $0x1  }
0xa1: {  	s23 =	simm.s32 $0x1B8B  }
0xa2: {  	_ =	swait.ge [sflag:s23], $0x1  }
0xa3: {  	[sflag:s23] =	ssyncset.done $0x0  }
0xa4: {  	s25 =	simm.s32 $0x1B8E;
	s24 =	sld [smem:$0x3FFE];
	[sflag:s23] =	ssyncadd.s32 $0xFFFFFFFF  }
0xa5: {  	s26 =	simm.s32 $execute0_lowered;
	[smem:$0x3FD2] =	sst s25  }
0xa6: {  	s5 =	sshll.u32 s26, $0x1;
	_ =	strace $0x80000049;
	[dreg:$0x1] =	wrdreg $0xFFFFFFFF  }
0xa7: {  	s28 =	simm.s32 $_size_execute0_lowered;
	s3 =	sadd.s32 s3, s5;
	[dreg:$0x0] =	wrdreg $0x0  }
0xa8: {  	s5 =	sshll.u32 s28, $0x1;
	[dreg:$0x2] =	wrdreg s3  }
0xa9: {  	[dreg:$0x3] =	wrdreg s5  }
0xaa: {  	[dreg:$0x4] =	wrdreg $0xC0  }
0xab: {  	_ =	task [dreg:s7], $0x5FFFF  }
0xac: {  	[dreg:$0x1] =	wrdreg $0xFFFFFFFF  }
0xad: {  	[dreg:$0x0] =	wrdreg $0x60  }
0xae: {  	[dreg:$0x2] =	wrdreg s2  }
0xaf: {  	[dreg:$0x3] =	wrdreg s24  }
0xb0: {  	[dreg:$0x4] =	wrdreg $0x41000  }
0xb1: {  	[dreg:$0x5] =	wrdreg $0x9  }
0xb2: {  	_ =	task.clear_ibuf [dreg:s7], $0x6FFFF;
	_ =	strace $0x90000049  }
0xb3: {  	s29 =	simm.s32 $0x9;
	_ =	strace $0x8000004B  }
0xb4: {  	_ =	swait.ge [sflag:s29], $0x1  }
0xb5: {  	[sflag:s29] =	ssyncadd.s32 $0xFFFFFFFF  }
0xb6: {  	_ =	strace $0x9000004B  }
0xb7: {  	_ =	sfence  }
0xb8: {  	s30 =	sld [smem:$0x0];
	_ =	sdelay $0x2  }
0xb9: {  	s31 =	sshll.u32 s1, $0xD;
	s1 =	sshrl.u32 s1, $0x2  }
0xba: {  	s3 =	sand.u32 $0x4000, s31;
	s1 =	sadd.s32 s1, s30  }
0xbb: {  	s0 =	sor.u32 s3, s0;
	s1 =	sshll.u32 s1, $0x11  }
0xbc: {  	s0 =	sor.u32 s1, s0  }
0xbd: {  	s0 =	sadd.s32 $0x8F2B, s0  }
0xbe: {  	[sflag:s0] =	ssyncadd.remote.s32 $0x1  }
0xbf: {  	_ =	sfence.sel $0xFFFF  }
0xc0: {  	[dreg:$0x0] =	wrdreg $0xFFFFFFFF;
	(pc) =	sbr.abs _section_cstart, $3  }
0xc1: {  	[dreg:$0x1] =	wrdreg $0xFFFFFFFF  }
0xc2: {  	_ =	task.clear_ibuf [dreg:s7], $0x2FFFF;
	_ =	strace $0x9FFFFFFF  }
0xc3: {  	(tm) =	ssettm $0x7FFFFFFF  }
tec
execute0_lowered:
.L_overlay_start_1:
0x0: {  	(tag) =	ssettag $0x1  }
0x1: {  	s2 =	srdreg.scid  }
0x2: {  	s0 =	stileid.u32;
	s1 =	rddreg [dreg:$0x0]  }
0x3: {  	s7 =	rddreg [dreg:$0x1];
	s6 =	smul.u32 $0x4E80, s0  }
0x4: {  	s3 =	rddreg [dreg:$0x2];
	s4 =	simm.s32 $0x0;
	s9 =	smul.u32 $0x9D0, s0  }
0x5: {  	s13 =	simm.s32 $0x80;
	s14 =	simm.s32 $0x100;
	s24 =	smul.u32 $0x13C00, s0  }
0x6: {  	s15 =	simm.s32 $0x1;
	s5 =	sand.u32 $0x1, s2;
	s28 =	smul.u32 $0x4F000, s0  }
0x7: {  	s16 =	simm.s32 $0x0;
	s2 =	rddreg [dreg:$0x3];
	s8 =	smul.u32 $0x4E800, s5  }
0x8: {  	[smem:$0x7FF] =	sst s4;
	s31 =	sshll.u32 s0, $0x6;
	s10 =	smul.u32 $0x13C000, s5  }
0x9: {  	_ =	strace $0x8000004A;
	s26 =	ssub.s32 $0x2, s5;
	s5 =	sadd.s32 $0xDC00, s7  }
0xa: {  	s9 =	sadd.s32 s9, s7;
	s29 =	sshrl.u32 s26, $0x1;
	s30 =	sshrl.u32 s28, $0x2  }
0xb: {  	s6 =	sadd.s32 s6, s8;
	s25 =	sadd.s32 s24, s10;
	s8 =	ssub.s32 s26, s29  }
0xc: {  	s12 =	sadd.s32 s30, s3;
	s9 =	sadd.s32 $0x3E00, s9;
	s6 =	sshrl.u32 s6, $0x3  }
0xd: {  	s8 =	smax.u32 s8, $0x1;
	s11 =	sadd.s32 s6, s7;
	s6 =	sshrl.u32 s25, $0x3  }
0xe: {  	s7 =	sadd.s32 s6, s7;
	s6 =	sor.u32 $0x1C02, s31;
	s10 =	sadd.s32 $0x5F600, s11  }
0xf: {  	s11 =	sshrl.u32 s12, $0x3;
	s12 =	simm.s32 $0x2;
	s7 =	sadd.s32 $0x73000, s7  }
.LBB2_1:
0x10: {  	[spmem:s11], [sflag:s6] =	dma.local [hbm:s5], $0x2780  }
0x11: {  	_ =	swait.ge [sflag:s12], $0x2780  }
0x12: {  	[sflag:s12] =	ssyncset.done $0x0  }
0x13: {  	[sflag:s12] =	ssyncadd.s32 $0xFFFFD880  }
0x14: {  	s17 =	sadd.s32 $0x0, s10;
	[bflag:$0x0] =	sbarrier.arrive $0xFFFF  }
0x15: {  	[tilespmem:s4], [sflag:$0x2] =	stream.linear.gather [hbm4b:s17+s4], $0x80, $0x38;
	[tilespmem:$0x17D00] =	vst v63  }
0x16: {  	_ =	swait.ge [sflag:s12], $0x80  }
0x17: {  	[sflag:s12] =	ssyncset.done $0x0  }
0x18: {  	s31 =	sadd.s32 $0x0, s9;
	[sflag:s12] =	ssyncadd.s32 $0xFFFFFF80  }
0x19: {  	[tilespmem:s13], [sflag:$0x2] =	stream.linear.gather [hbm4b:s31+s4], $0x80, $0x38;
	[tilespmem:$0x17D00] =	vst v63  }
0x1a: {  	_ =	swait.ge [sflag:s12], $0x80  }
0x1b: {  	s17 =	simm.s32 $0x10;
	[sflag:s12] =	ssyncset.done $0x0  }
.LBB2_2:
0x1c: {  	p0 =	sne.s32 s17, $0x9C0;
	[sflag:s12] =	ssyncadd.s32 $0xFFFFFF80  }
0x1d: {  	[tilespmem:s14], [sflag:$0x1] =	stream.indirect.gather [hbm4b:s1+s13], $0x80, s4, s13, $0xb8;
	[tilespmem:$0x17D00] =	vst v63  }
0x1e: {  	_ =	swait.ge [sflag:s15], $0x4000  }
0x1f: {  	[sflag:s15] =	ssyncset.done $0x0  }
0x20: {  	[sflag:s15] =	ssyncadd.s32 $0xFFFFC000  }
0x21: {  	[spmem:s3] =	stream.indirect.scatter.add.f32 [tilespmem:s14], [sflag:$0x2], $0x80, s13, s13, $0xb8;
	[tilespmem:$0x17D00] =	vst v63  }
0x22: {  	_ =	swait.ge [sflag:s12], $0x4000  }
0x23: {  	[sflag:s12] =	ssyncset.done $0x0  }
0x24: {  	s18 =	sadd.s32 s17, s10;
	[sflag:s12] =	ssyncadd.s32 $0xFFFFC000  }
0x25: {  	[tilespmem:s4], [sflag:$0x2] =	stream.linear.gather [hbm4b:s18+s4], $0x80, $0x38;
	[tilespmem:$0x17D00] =	vst v63  }
0x26: {  	_ =	swait.ge [sflag:s12], $0x80  }
.Ltmp0:
0x27: {  	[sflag:s12] =	ssyncset.done $0x0;
	(pc) =	sbr.rel @p0 .LBB2_2-.Ltmp0, $4  }
0x28: {  	s18 =	sadd.s32 s17, s9;
	[sflag:s12] =	ssyncadd.s32 $0xFFFFFF80  }
0x29: {  	[tilespmem:s13], [sflag:$0x2] =	stream.linear.gather [hbm4b:s18+s4], $0x80, $0x38;
	[tilespmem:$0x17D00] =	vst v63  }
0x2a: {  	_ =	swait.ge [sflag:s12], $0x80  }
0x2b: {  	s17 =	sadd.s32 $0x10, s17;
	[sflag:s12] =	ssyncset.done $0x0  }
0x2c: {  	[sflag:s12] =	ssyncadd.s32 $0xFFFFFF80  }
0x2d: {  	[tilespmem:s14], [sflag:$0x1] =	stream.indirect.gather [hbm4b:s1+s13], $0x80, s4, s13, $0xb8;
	[tilespmem:$0x17D00] =	vst v63  }
0x2e: {  	_ =	swait.ge [sflag:s15], $0x4000  }
0x2f: {  	[sflag:s15] =	ssyncset.done $0x0  }
0x30: {  	[sflag:s15] =	ssyncadd.s32 $0xFFFFC000  }
0x31: {  	[spmem:s3] =	stream.indirect.scatter.add.f32 [tilespmem:s14], [sflag:$0x2], $0x80, s13, s13, $0xb8;
	[tilespmem:$0x17D00] =	vst v63  }
0x32: {  	_ =	swait.ge [sflag:s12], $0x4000  }
0x33: {  	s16 =	sadd.s32 $0x1, s16;
	[sflag:s12] =	ssyncset.done $0x0  }
0x34: {  	p0 =	sne.s32 s16, s8;
	[sflag:s12] =	ssyncadd.s32 $0xFFFFC000  }
.Ltmp1:
0x35: {  	[bflag:$0x0] =	sbarrier.arrive $0xFFFF;
	(pc) =	sbr.rel @p0 .LBB2_1-.Ltmp1, $4  }
0x36: {  	[hbm:s7], [sflag:s6] =	dma.local [spmem:s11], $0x2780  }
0x37: {  	_ =	swait.ge [sflag:s12], $0x2780  }
0x38: {  	[sflag:s12] =	ssyncset.done $0x0  }
0x39: {  	[sflag:s12] =	ssyncadd.s32 $0xFFFFD880  }
0x3a: {  	_ =	sfence.sel $0x180000  }
0x3b: {  	[bflag:$0x0] =	sbarrier.arrive $0xFFFF  }
0x3c: {  	p0 =	sne.s32 s0, $0x0;
	_ =	strace $0x9000004A  }
0x3d: {  	s0 =	sadd.s32 @!p0 $0x100000, s2;
	[bflag:$0x2] =	sbarrier.arrive $0xFFFF  }
0x3e: {  	[sflag:s0] =	ssyncadd.tile.s32 @!p0 $0x1;
	_ =	shalt  }
.Lfunc_end2:
_tile_overlayer_lowered:
.L_overlay_start_2:
0x3f: {  	(tag) =	ssettag $0x2  }
0x40: {  	s0 =	rddreg [dreg:$0x0];
	s2 =	stileid.u32  }
0x41: {  	s1 =	rddreg [dreg:$0x1];
	p0 =	sne.s32 s2, $0x0  }
0x42: {  	s3 =	rddreg [dreg:$0x2];
	[bflag:$0x3] =	sbarrier.arrive $0xFFFF;
	s2 =	simm.s32 @!p0 $0x1C02  }
0x43: {  	[timem:s3], [sflag:s2] =	dma.local @!p0 [hbm:s0], s1  }
0x44: {  	s0 =	simm.s32 @!p0 $0x2  }
0x45: {  	_ =	swait.ge @!p0 [sflag:s0], s1  }
0x46: {  	s1 =	ssub.s32 @!p0 $0x0, s1;
	[sflag:s0] =	ssyncset.done @!p0 $0x0  }
0x47: {  	[sflag:s0] =	ssyncadd.s32 @!p0 s1  }
0x48: {  	[bflag:$0x3] =	sbarrier.arrive $0xFFFF  }
0x49: {  	_ =	shalt  }

// kernel: kernel.21.cloned.1.call-start
scs
__scs_entry_jumppad:
0x0: {  	(pc) =	sbr.rel $0x88, $3  }
0x1: {  	(tag) =	ssettag $0x0;
	lr =	simm.s32 $0x1  }
0x2: {  	[smem:$0x3F98] =	sst lr;
	_ =	strace $0xD0000000  }
0x3: {  	_ = 	snop  }
0x4: {  	_ = 	snop  }
0x5: {  	_ = 	snop  }
0x6: {  	_ = 	snop  }
0x7: {  	_ = 	snop  }
__scs_overlays_trampoline_lowered:
0x8: {  	[smem:$0x3FA7] =	sst s0  }
0x9: {  	[smem:$0x3FA8] =	sst s1  }
0xa: {  	[smem:$0x3FA9] =	sst s2  }
0xb: {  	[smem:$0x3FAA] =	sst s3  }
0xc: {  	[smem:$0x3FAB] =	sst s4  }
0xd: {  	[smem:$0x3FAC] =	sst s5  }
0xe: {  	[smem:$0x3FAD] =	sst s6  }
0xf: {  	[smem:$0x3FAE] =	sst s7  }
0x10: {  	[smem:$0x3FAF] =	sst s8  }
0x11: {  	[smem:$0x3FB0] =	sst s9;
	s0 =	simm.s32 @!p0 $0x0  }
0x12: {  	s1 =	sld [smem:$0x3F96];
	s0 =	simm.s32 @p0 $0x1  }
0x13: {  	[smem:$0x3FB1] =	sst s0;
	s0 =	simm.s32 @!p1 $0x0  }
0x14: {  	s2 =	sld [smem:$0x3F95];
	s0 =	simm.s32 @p1 $0x1  }
0x15: {  	[smem:$0x3FB2] =	sst s0;
	s0 =	simm.s32 @!p2 $0x0  }
0x16: {  	s3 =	sld [smem:$0x3FDB];
	s0 =	simm.s32 @p2 $0x1  }
0x17: {  	s4 =	simm.s32 $0x1BF5;
	[smem:$0x3FB4] =	sst s0  }
0x18: {  	s0 =	sld [smem:$0x3F97];
	_ =	swait.ge [sflag:s4], $0x0  }
0x19: {  	s7 =	sld [smem:$0x3F98]  }
0x1a: {  	s8 =	sadd.s32 $0xFFFFE003, lr  }
0x1b: {  	s9 =	sadd.s32 $0xFFFFFEF7, lr;
	s5 =	simm.s32 $0xFFFFFFFF;
	p2 =	slt.u32 s8, $0xFFFFF086  }
0x1c: {  	p1 =	slt.u32 s9, $0xF7A;
	s5 =	simm.s32 @!p2 $0x0  }
0x1d: {  	s5 =	simm.s32 @p1 $0x1;
	p0 =	seq.s32 s7, s2  }
0x1e: {  	s7 =	smul.u32 @!p0 $0xF7A, s2;
	p2 =	seq.s32 @!p0 s5, $0x0  }
0x1f: {  	s9 =	smul.u32 $0xF7A, s1;
	s8 =	simm.s32 @!p0 $0x1BF5;
	p2 =	por !p2, p0  }
0x20: {  	[sflag:s8] =	ssyncset.s32 @!p0 $0xFFFFF086;
	s6 =	sadd.s32 @!p0 s3, s7;
	s7 =	simm.s32 @!p0 $0x108  }
0x21: {  	s3 =	sadd.s32 s3, s9;
	s6 =	sadd.s32 @!p0 $0x88, s6;
	s7 =	simm.s32 @p2 $0x1082  }
0x22: {  	[simem:s7], [sflag:s8] =	dma.local @!p0 [hbm:s6], $0xF7A  }
0x23: {  	s9 =	sor.u32 $0xD0000000, s2;
	s6 =	simm.s32 $0x108;
	_ =	swait.ge @!p0 [sflag:s8], $0x0  }
0x24: {  	s3 =	sadd.s32 $0x88, s3;
	s6 =	simm.s32 @!p1 $0x1082;
	[sflag:s4] =	ssyncset.s32 $0xFFFFF086  }
0x25: {  	[simem:s6], [sflag:s4] =	dma.local [hbm:s3], $0xF7A  }
0x26: {  	[smem:$0x3F98] =	sst s1;
	(tag) =	ssettag s2;
	_ =	strace s9  }
0x27: {  	s1 =	sld [smem:$0x3FA8]  }
0x28: {  	s2 =	sld [smem:$0x3FA9]  }
0x29: {  	s4 =	sld [smem:$0x3FAB]  }
0x2a: {  	p0 =	seq.s32 s5, $0x0;
	s5 =	sld [smem:$0x3FAC]  }
0x2b: {  	s6 =	sld [smem:$0x3FAD]  }
0x2c: {  	s7 =	sld [smem:$0x3FAE]  }
0x2d: {  	s3 =	simm.s32 $0x108;
	s8 =	sld [smem:$0x3FAF]  }
0x2e: {  	s3 =	simm.s32 @!p0 $0x1082;
	s9 =	sld [smem:$0x3FB0]  }
0x2f: {  	lr =	sadd.s32 s0, s3;
	s0 =	sld [smem:$0x3FA7]  }
0x30: {  	s3 =	sld [smem:$0x3FAA]  }
0x31: {  	[smem:$0x3FB3] =	sst s10  }
0x32: {  	s10 =	sld [smem:$0x3FB1];
	_ =	sdelay $0x3  }
0x33: {  	p0 =	seq.s32 s10, $0x1;
	s10 =	sld [smem:$0x3FB3];
	_ =	sdelay $0x3  }
0x34: {  	[smem:$0x3FB3] =	sst s10  }
0x35: {  	s10 =	sld [smem:$0x3FB2];
	_ =	sdelay $0x3  }
0x36: {  	p1 =	seq.s32 s10, $0x1;
	s10 =	sld [smem:$0x3FB3];
	_ =	sdelay $0x3  }
0x37: {  	[smem:$0x3FB3] =	sst s10  }
0x38: {  	s10 =	sld [smem:$0x3FB4]  }
0x39: {  	_ = 	snop;
	(pc) =	sbr.ind lr, $3  }
0x3a: {  	_ = 	snop  }
0x3b: {  	_ = 	snop  }
0x3c: {  	p2 =	seq.s32 s10, $0x1;
	s10 =	sld [smem:$0x3FB3]  }
0x3d: {  	_ =	shalt  }
0x3e: {  	_ =	shalt  }
0x3f: {  	_ =	shalt  }
0x40: {  	_ =	shalt  }
0x41: {  	_ =	shalt  }
0x42: {  	_ =	shalt  }
0x43: {  	_ =	shalt  }
0x44: {  	_ =	shalt  }
0x45: {  	_ =	shalt  }
0x46: {  	_ =	shalt  }
0x47: {  	_ =	shalt  }
0x48: {  	_ =	shalt  }
0x49: {  	_ =	shalt  }
0x4a: {  	_ =	shalt  }
0x4b: {  	_ =	shalt  }
0x4c: {  	_ =	shalt  }
0x4d: {  	_ =	shalt  }
0x4e: {  	_ =	shalt  }
0x4f: {  	_ =	shalt  }
0x50: {  	_ =	shalt  }
0x51: {  	_ =	shalt  }
0x52: {  	_ =	shalt  }
0x53: {  	_ =	shalt  }
0x54: {  	_ =	shalt  }
0x55: {  	_ =	shalt  }
0x56: {  	_ =	shalt  }
0x57: {  	_ =	shalt  }
0x58: {  	_ =	shalt  }
0x59: {  	_ =	shalt  }
0x5a: {  	_ =	shalt  }
0x5b: {  	_ =	shalt  }
0x5c: {  	_ =	shalt  }
0x5d: {  	_ =	shalt  }
0x5e: {  	_ =	shalt  }
0x5f: {  	_ =	shalt  }
0x60: {  	_ =	shalt  }
0x61: {  	_ =	shalt  }
0x62: {  	_ =	shalt  }
0x63: {  	_ =	shalt  }
0x64: {  	_ =	shalt  }
0x65: {  	_ =	shalt  }
0x66: {  	_ =	shalt  }
0x67: {  	_ =	shalt  }
0x68: {  	_ =	shalt  }
0x69: {  	_ =	shalt  }
0x6a: {  	_ =	shalt  }
0x6b: {  	_ =	shalt  }
0x6c: {  	_ =	shalt  }
0x6d: {  	_ =	shalt  }
0x6e: {  	_ =	shalt  }
0x6f: {  	_ =	shalt  }
0x70: {  	_ =	shalt  }
0x71: {  	_ =	shalt  }
0x72: {  	_ =	shalt  }
0x73: {  	_ =	shalt  }
0x74: {  	_ =	shalt  }
0x75: {  	_ =	shalt  }
0x76: {  	_ =	shalt  }
0x77: {  	_ =	shalt  }
0x78: {  	_ =	shalt  }
0x79: {  	_ =	shalt  }
0x7a: {  	_ =	shalt  }
0x7b: {  	_ =	shalt  }
0x7c: {  	_ =	shalt  }
0x7d: {  	_ =	shalt  }
0x7e: {  	_ =	shalt  }
0x7f: {  	_ =	shalt  }
0x80: {  	_ =	shalt  }
0x81: {  	_ =	shalt  }
0x82: {  	_ =	shalt  }
0x83: {  	_ =	shalt  }
0x84: {  	_ =	shalt  }
0x85: {  	_ =	shalt  }
0x86: {  	_ =	shalt  }
0x87: {  	_ =	shalt  }
.Lfunc_end0:
.L_simem_size_0:
called_computation.2_lowered:
.L_overlay_start_0:
0x88: {  	s2 =	sld [smem:$0x3FD9]  }
0x89: {  	s3 =	sld [smem:$0x3FFE];
	_ =	sdelay $0x1  }
0x8a: {  	s1 =	srdreg.scid  }
0x8b: {  	s0 =	sand.u32 $0x1, s1  }
0x8c: {  	s17 =	sshll.u32 s0, $0xA;
	s2 =	sadd.s32 s3, s2  }
0x8d: {  	s2 =	sadd.s32 s2, s17  }
0x8e: {  	[smem:$0x3FBF] =	sst s2  }
0x8f: {  	_ = 	snop  }
0x90: {  	s2 =	sld [smem:$0x3FD0];
	(tm) =	ssettm $0x1  }
0x91: {  	s18 =	sld [smem:$0x3FFB];
	_ =	sdelay $0x3  }
0x92: {  	_ =	strace s18  }
0x93: {  	s3 =	sld [smem:$0x3FFC];
	_ =	sdelay $0x3  }
0x94: {  	_ =	strace s3  }
0x95: {  	s3 =	sld [smem:$0x3FFD];
	_ =	sdelay $0x3  }
0x96: {  	_ =	strace s3  }
0x97: {  	_ =	strace $0x8FFFFFFF  }
0x98: {  	s19 =	sld [smem:$0x3FDB];
	_ =	sdelay $0x1  }
0x99: {  	s4 =	simm.s32 $_scs_section_size  }
0x9a: {  	s5 =	simm.s32 $_size__tile_overlayer_lowered;
	s6 =	simm.s32 $_tile_overlayer_lowered  }
0x9b: {  	s22 =	simm.s32 $0x1BFF;
	s21 =	sshll.u32 s6, $0x1;
	s3 =	sadd.s32 s4, s19  }
0x9c: {  	s7 =	simm.s32 $0x0;
	s20 =	sshll.u32 s5, $0x1;
	s5 =	sadd.s32 s21, s3  }
0x9d: {  	[timem:s7], [sflag:s22] =	dma.local [hbm:s5], s20  }
0x9e: {  	_ =	swait.ge [sflag:s22], s20  }
0x9f: {  	s4 =	ssub.s32 $0x0, s20;
	[sflag:s22] =	ssyncset.done $0x0  }
0xa0: {  	[sflag:s22] =	ssyncadd.s32 s4;
	_ =	sdelay $0x1  }
0xa1: {  	s23 =	simm.s32 $0x1B8B  }
0xa2: {  	_ =	swait.ge [sflag:s23], $0x1  }
0xa3: {  	[sflag:s23] =	ssyncset.done $0x0  }
0xa4: {  	s25 =	simm.s32 $0x1B8E;
	s24 =	sld [smem:$0x3FFE];
	[sflag:s23] =	ssyncadd.s32 $0xFFFFFFFF  }
0xa5: {  	s26 =	simm.s32 $execute0_lowered;
	[smem:$0x3FD2] =	sst s25  }
0xa6: {  	s5 =	sshll.u32 s26, $0x1;
	_ =	strace $0x8000004C;
	[dreg:$0x1] =	wrdreg $0xFFFFFFFF  }
0xa7: {  	s28 =	simm.s32 $_size_execute0_lowered;
	s3 =	sadd.s32 s3, s5;
	[dreg:$0x0] =	wrdreg $0x0  }
0xa8: {  	s5 =	sshll.u32 s28, $0x1;
	[dreg:$0x2] =	wrdreg s3  }
0xa9: {  	[dreg:$0x3] =	wrdreg s5  }
0xaa: {  	[dreg:$0x4] =	wrdreg $0xC0  }
0xab: {  	_ =	task [dreg:s7], $0x5FFFF  }
0xac: {  	[dreg:$0x1] =	wrdreg $0xFFFFFFFF  }
0xad: {  	[dreg:$0x0] =	wrdreg $0x60  }
0xae: {  	[dreg:$0x2] =	wrdreg s2  }
0xaf: {  	[dreg:$0x3] =	wrdreg s24  }
0xb0: {  	[dreg:$0x4] =	wrdreg $0x41000  }
0xb1: {  	[dreg:$0x5] =	wrdreg $0x9  }
0xb2: {  	_ =	task.clear_ibuf [dreg:s7], $0x6FFFF;
	_ =	strace $0x9000004C  }
0xb3: {  	s29 =	simm.s32 $0x9;
	_ =	strace $0x8000004E  }
0xb4: {  	_ =	swait.ge [sflag:s29], $0x1  }
0xb5: {  	[sflag:s29] =	ssyncadd.s32 $0xFFFFFFFF  }
0xb6: {  	_ =	strace $0x9000004E  }
0xb7: {  	_ =	sfence  }
0xb8: {  	s30 =	sld [smem:$0x0];
	_ =	sdelay $0x2  }
0xb9: {  	s31 =	sshll.u32 s1, $0xD;
	s1 =	sshrl.u32 s1, $0x2  }
0xba: {  	s3 =	sand.u32 $0x4000, s31;
	s1 =	sadd.s32 s1, s30  }
0xbb: {  	s0 =	sor.u32 s3, s0;
	s1 =	sshll.u32 s1, $0x11  }
0xbc: {  	s0 =	sor.u32 s1, s0  }
0xbd: {  	s0 =	sadd.s32 $0x8F2B, s0  }
0xbe: {  	[sflag:s0] =	ssyncadd.remote.s32 $0x1  }
0xbf: {  	_ =	sfence.sel $0xFFFF  }
0xc0: {  	[dreg:$0x0] =	wrdreg $0xFFFFFFFF;
	(pc) =	sbr.abs _section_cstart, $3  }
0xc1: {  	[dreg:$0x1] =	wrdreg $0xFFFFFFFF  }
0xc2: {  	_ =	task.clear_ibuf [dreg:s7], $0x2FFFF;
	_ =	strace $0x9FFFFFFF  }
0xc3: {  	(tm) =	ssettm $0x7FFFFFFF  }
tec
execute0_lowered:
.L_overlay_start_1:
0x0: {  	(tag) =	ssettag $0x1  }
0x1: {  	s2 =	srdreg.scid  }
0x2: {  	s0 =	stileid.u32;
	s1 =	rddreg [dreg:$0x0]  }
0x3: {  	s7 =	rddreg [dreg:$0x1];
	s6 =	smul.u32 $0x4E80, s0  }
0x4: {  	s3 =	rddreg [dreg:$0x2];
	s4 =	simm.s32 $0x0;
	s9 =	smul.u32 $0x9D0, s0  }
0x5: {  	s13 =	simm.s32 $0x80;
	s14 =	simm.s32 $0x100;
	s24 =	smul.u32 $0x13C00, s0  }
0x6: {  	s15 =	simm.s32 $0x1;
	s5 =	sand.u32 $0x1, s2;
	s28 =	smul.u32 $0x4F000, s0  }
0x7: {  	s16 =	simm.s32 $0x0;
	s2 =	rddreg [dreg:$0x3];
	s8 =	smul.u32 $0x4E800, s5  }
0x8: {  	[smem:$0x7FF] =	sst s4;
	s31 =	sshll.u32 s0, $0x6;
	s10 =	smul.u32 $0x13C000, s5  }
0x9: {  	_ =	strace $0x8000004D;
	s26 =	ssub.s32 $0x2, s5;
	s5 =	sadd.s32 $0xDC00, s7  }
0xa: {  	s9 =	sadd.s32 s9, s7;
	s29 =	sshrl.u32 s26, $0x1;
	s30 =	sshrl.u32 s28, $0x2  }
0xb: {  	s6 =	sadd.s32 s6, s8;
	s25 =	sadd.s32 s24, s10;
	s8 =	ssub.s32 s26, s29  }
0xc: {  	s12 =	sadd.s32 s30, s3;
	s9 =	sadd.s32 $0x3E00, s9;
	s6 =	sshrl.u32 s6, $0x3  }
0xd: {  	s8 =	smax.u32 s8, $0x1;
	s11 =	sadd.s32 s6, s7;
	s6 =	sshrl.u32 s25, $0x3  }
0xe: {  	s7 =	sadd.s32 s6, s7;
	s6 =	sor.u32 $0x1C02, s31;
	s10 =	sadd.s32 $0x5F600, s11  }
0xf: {  	s11 =	sshrl.u32 s12, $0x3;
	s12 =	simm.s32 $0x2;
	s7 =	sadd.s32 $0x10400, s7  }
.LBB2_1:
0x10: {  	[spmem:s11], [sflag:s6] =	dma.local [hbm:s5], $0x2780  }
0x11: {  	_ =	swait.ge [sflag:s12], $0x2780  }
0x12: {  	[sflag:s12] =	ssyncset.done $0x0  }
0x13: {  	[sflag:s12] =	ssyncadd.s32 $0xFFFFD880  }
0x14: {  	s17 =	sadd.s32 $0x0, s10;
	[bflag:$0x0] =	sbarrier.arrive $0xFFFF  }
0x15: {  	[tilespmem:s4], [sflag:$0x2] =	stream.linear.gather [hbm4b:s17+s4], $0x80, $0x38;
	[tilespmem:$0x17D00] =	vst v63  }
0x16: {  	_ =	swait.ge [sflag:s12], $0x80  }
0x17: {  	[sflag:s12] =	ssyncset.done $0x0  }
0x18: {  	s31 =	sadd.s32 $0x0, s9;
	[sflag:s12] =	ssyncadd.s32 $0xFFFFFF80  }
0x19: {  	[tilespmem:s13], [sflag:$0x2] =	stream.linear.gather [hbm4b:s31+s4], $0x80, $0x38;
	[tilespmem:$0x17D00] =	vst v63  }
0x1a: {  	_ =	swait.ge [sflag:s12], $0x80  }
0x1b: {  	s17 =	simm.s32 $0x10;
	[sflag:s12] =	ssyncset.done $0x0  }
.LBB2_2:
0x1c: {  	p0 =	sne.s32 s17, $0x9C0;
	[sflag:s12] =	ssyncadd.s32 $0xFFFFFF80  }
0x1d: {  	[tilespmem:s14], [sflag:$0x1] =	stream.indirect.gather [hbm4b:s1+s13], $0x80, s4, s13, $0xb8;
	[tilespmem:$0x17D00] =	vst v63  }
0x1e: {  	_ =	swait.ge [sflag:s15], $0x4000  }
0x1f: {  	[sflag:s15] =	ssyncset.done $0x0  }
0x20: {  	[sflag:s15] =	ssyncadd.s32 $0xFFFFC000  }
0x21: {  	[spmem:s3] =	stream.indirect.scatter.add.f32 [tilespmem:s14], [sflag:$0x2], $0x80, s13, s13, $0xb8;
	[tilespmem:$0x17D00] =	vst v63  }
0x22: {  	_ =	swait.ge [sflag:s12], $0x4000  }
0x23: {  	[sflag:s12] =	ssyncset.done $0x0  }
0x24: {  	s18 =	sadd.s32 s17, s10;
	[sflag:s12] =	ssyncadd.s32 $0xFFFFC000  }
0x25: {  	[tilespmem:s4], [sflag:$0x2] =	stream.linear.gather [hbm4b:s18+s4], $0x80, $0x38;
	[tilespmem:$0x17D00] =	vst v63  }
0x26: {  	_ =	swait.ge [sflag:s12], $0x80  }
.Ltmp0:
0x27: {  	[sflag:s12] =	ssyncset.done $0x0;
	(pc) =	sbr.rel @p0 .LBB2_2-.Ltmp0, $4  }
0x28: {  	s18 =	sadd.s32 s17, s9;
	[sflag:s12] =	ssyncadd.s32 $0xFFFFFF80  }
0x29: {  	[tilespmem:s13], [sflag:$0x2] =	stream.linear.gather [hbm4b:s18+s4], $0x80, $0x38;
	[tilespmem:$0x17D00] =	vst v63  }
0x2a: {  	_ =	swait.ge [sflag:s12], $0x80  }
0x2b: {  	s17 =	sadd.s32 $0x10, s17;
	[sflag:s12] =	ssyncset.done $0x0  }
0x2c: {  	[sflag:s12] =	ssyncadd.s32 $0xFFFFFF80  }
0x2d: {  	[tilespmem:s14], [sflag:$0x1] =	stream.indirect.gather [hbm4b:s1+s13], $0x80, s4, s13, $0xb8;
	[tilespmem:$0x17D00] =	vst v63  }
0x2e: {  	_ =	swait.ge [sflag:s15], $0x4000  }
0x2f: {  	[sflag:s15] =	ssyncset.done $0x0  }
0x30: {  	[sflag:s15] =	ssyncadd.s32 $0xFFFFC000  }
0x31: {  	[spmem:s3] =	stream.indirect.scatter.add.f32 [tilespmem:s14], [sflag:$0x2], $0x80, s13, s13, $0xb8;
	[tilespmem:$0x17D00] =	vst v63  }
0x32: {  	_ =	swait.ge [sflag:s12], $0x4000  }
0x33: {  	s16 =	sadd.s32 $0x1, s16;
	[sflag:s12] =	ssyncset.done $0x0  }
0x34: {  	p0 =	sne.s32 s16, s8;
	[sflag:s12] =	ssyncadd.s32 $0xFFFFC000  }
.Ltmp1:
0x35: {  	[bflag:$0x0] =	sbarrier.arrive $0xFFFF;
	(pc) =	sbr.rel @p0 .LBB2_1-.Ltmp1, $4  }
0x36: {  	[hbm:s7], [sflag:s6] =	dma.local [spmem:s11], $0x2780  }
0x37: {  	_ =	swait.ge [sflag:s12], $0x2780  }
0x38: {  	[sflag:s12] =	ssyncset.done $0x0  }
0x39: {  	[sflag:s12] =	ssyncadd.s32 $0xFFFFD880  }
0x3a: {  	_ =	sfence.sel $0x180000  }
0x3b: {  	[bflag:$0x0] =	sbarrier.arrive $0xFFFF  }
0x3c: {  	p0 =	sne.s32 s0, $0x0;
	_ =	strace $0x9000004D  }
0x3d: {  	s0 =	sadd.s32 @!p0 $0x100000, s2;
	[bflag:$0x2] =	sbarrier.arrive $0xFFFF  }
0x3e: {  	[sflag:s0] =	ssyncadd.tile.s32 @!p0 $0x1;
	_ =	shalt  }
.Lfunc_end2:
_tile_overlayer_lowered:
.L_overlay_start_2:
0x3f: {  	(tag) =	ssettag $0x2  }
0x40: {  	s0 =	rddreg [dreg:$0x0];
	s2 =	stileid.u32  }
0x41: {  	s1 =	rddreg [dreg:$0x1];
	p0 =	sne.s32 s2, $0x0  }
0x42: {  	s3 =	rddreg [dreg:$0x2];
	[bflag:$0x3] =	sbarrier.arrive $0xFFFF;
	s2 =	simm.s32 @!p0 $0x1C02  }
0x43: {  	[timem:s3], [sflag:s2] =	dma.local @!p0 [hbm:s0], s1  }
0x44: {  	s0 =	simm.s32 @!p0 $0x2  }
0x45: {  	_ =	swait.ge @!p0 [sflag:s0], s1  }
0x46: {  	s1 =	ssub.s32 @!p0 $0x0, s1;
	[sflag:s0] =	ssyncset.done @!p0 $0x0  }
0x47: {  	[sflag:s0] =	ssyncadd.s32 @!p0 s1  }
0x48: {  	[bflag:$0x3] =	sbarrier.arrive $0xFFFF  }
0x49: {  	_ =	shalt  }

// kernel: kernel.24.cloned.1.call-start
scs
__scs_entry_jumppad:
0x0: {  	(pc) =	sbr.rel $0x88, $3  }
0x1: {  	(tag) =	ssettag $0x0;
	lr =	simm.s32 $0x1  }
0x2: {  	[smem:$0x3F98] =	sst lr;
	_ =	strace $0xD0000000  }
0x3: {  	_ = 	snop  }
0x4: {  	_ = 	snop  }
0x5: {  	_ = 	snop  }
0x6: {  	_ = 	snop  }
0x7: {  	_ = 	snop  }
__scs_overlays_trampoline_lowered:
0x8: {  	[smem:$0x3FA7] =	sst s0  }
0x9: {  	[smem:$0x3FA8] =	sst s1  }
0xa: {  	[smem:$0x3FA9] =	sst s2  }
0xb: {  	[smem:$0x3FAA] =	sst s3  }
0xc: {  	[smem:$0x3FAB] =	sst s4  }
0xd: {  	[smem:$0x3FAC] =	sst s5  }
0xe: {  	[smem:$0x3FAD] =	sst s6  }
0xf: {  	[smem:$0x3FAE] =	sst s7  }
0x10: {  	[smem:$0x3FAF] =	sst s8  }
0x11: {  	[smem:$0x3FB0] =	sst s9;
	s0 =	simm.s32 @!p0 $0x0  }
0x12: {  	s1 =	sld [smem:$0x3F96];
	s0 =	simm.s32 @p0 $0x1  }
0x13: {  	[smem:$0x3FB1] =	sst s0;
	s0 =	simm.s32 @!p1 $0x0  }
0x14: {  	s2 =	sld [smem:$0x3F95];
	s0 =	simm.s32 @p1 $0x1  }
0x15: {  	[smem:$0x3FB2] =	sst s0;
	s0 =	simm.s32 @!p2 $0x0  }
0x16: {  	s3 =	sld [smem:$0x3FDB];
	s0 =	simm.s32 @p2 $0x1  }
0x17: {  	s4 =	simm.s32 $0x1BF5;
	[smem:$0x3FB4] =	sst s0  }
0x18: {  	s0 =	sld [smem:$0x3F97];
	_ =	swait.ge [sflag:s4], $0x0  }
0x19: {  	s7 =	sld [smem:$0x3F98]  }
0x1a: {  	s8 =	sadd.s32 $0xFFFFE003, lr  }
0x1b: {  	s9 =	sadd.s32 $0xFFFFFEF7, lr;
	s5 =	simm.s32 $0xFFFFFFFF;
	p2 =	slt.u32 s8, $0xFFFFF086  }
0x1c: {  	p1 =	slt.u32 s9, $0xF7A;
	s5 =	simm.s32 @!p2 $0x0  }
0x1d: {  	s5 =	simm.s32 @p1 $0x1;
	p0 =	seq.s32 s7, s2  }
0x1e: {  	s7 =	smul.u32 @!p0 $0xF7A, s2;
	p2 =	seq.s32 @!p0 s5, $0x0  }
0x1f: {  	s9 =	smul.u32 $0xF7A, s1;
	s8 =	simm.s32 @!p0 $0x1BF5;
	p2 =	por !p2, p0  }
0x20: {  	[sflag:s8] =	ssyncset.s32 @!p0 $0xFFFFF086;
	s6 =	sadd.s32 @!p0 s3, s7;
	s7 =	simm.s32 @!p0 $0x108  }
0x21: {  	s3 =	sadd.s32 s3, s9;
	s6 =	sadd.s32 @!p0 $0x88, s6;
	s7 =	simm.s32 @p2 $0x1082  }
0x22: {  	[simem:s7], [sflag:s8] =	dma.local @!p0 [hbm:s6], $0xF7A  }
0x23: {  	s9 =	sor.u32 $0xD0000000, s2;
	s6 =	simm.s32 $0x108;
	_ =	swait.ge @!p0 [sflag:s8], $0x0  }
0x24: {  	s3 =	sadd.s32 $0x88, s3;
	s6 =	simm.s32 @!p1 $0x1082;
	[sflag:s4] =	ssyncset.s32 $0xFFFFF086  }
0x25: {  	[simem:s6], [sflag:s4] =	dma.local [hbm:s3], $0xF7A  }
0x26: {  	[smem:$0x3F98] =	sst s1;
	(tag) =	ssettag s2;
	_ =	strace s9  }
0x27: {  	s1 =	sld [smem:$0x3FA8]  }
0x28: {  	s2 =	sld [smem:$0x3FA9]  }
0x29: {  	s4 =	sld [smem:$0x3FAB]  }
0x2a: {  	p0 =	seq.s32 s5, $0x0;
	s5 =	sld [smem:$0x3FAC]  }
0x2b: {  	s6 =	sld [smem:$0x3FAD]  }
0x2c: {  	s7 =	sld [smem:$0x3FAE]  }
0x2d: {  	s3 =	simm.s32 $0x108;
	s8 =	sld [smem:$0x3FAF]  }
0x2e: {  	s3 =	simm.s32 @!p0 $0x1082;
	s9 =	sld [smem:$0x3FB0]  }
0x2f: {  	lr =	sadd.s32 s0, s3;
	s0 =	sld [smem:$0x3FA7]  }
0x30: {  	s3 =	sld [smem:$0x3FAA]  }
0x31: {  	[smem:$0x3FB3] =	sst s10  }
0x32: {  	s10 =	sld [smem:$0x3FB1];
	_ =	sdelay $0x3  }
0x33: {  	p0 =	seq.s32 s10, $0x1;
	s10 =	sld [smem:$0x3FB3];
	_ =	sdelay $0x3  }
0x34: {  	[smem:$0x3FB3] =	sst s10  }
0x35: {  	s10 =	sld [smem:$0x3FB2];
	_ =	sdelay $0x3  }
0x36: {  	p1 =	seq.s32 s10, $0x1;
	s10 =	sld [smem:$0x3FB3];
	_ =	sdelay $0x3  }
0x37: {  	[smem:$0x3FB3] =	sst s10  }
0x38: {  	s10 =	sld [smem:$0x3FB4]  }
0x39: {  	_ = 	snop;
	(pc) =	sbr.ind lr, $3  }
0x3a: {  	_ = 	snop  }
0x3b: {  	_ = 	snop  }
0x3c: {  	p2 =	seq.s32 s10, $0x1;
	s10 =	sld [smem:$0x3FB3]  }
0x3d: {  	_ =	shalt  }
0x3e: {  	_ =	shalt  }
0x3f: {  	_ =	shalt  }
0x40: {  	_ =	shalt  }
0x41: {  	_ =	shalt  }
0x42: {  	_ =	shalt  }
0x43: {  	_ =	shalt  }
0x44: {  	_ =	shalt  }
0x45: {  	_ =	shalt  }
0x46: {  	_ =	shalt  }
0x47: {  	_ =	shalt  }
0x48: {  	_ =	shalt  }
0x49: {  	_ =	shalt  }
0x4a: {  	_ =	shalt  }
0x4b: {  	_ =	shalt  }
0x4c: {  	_ =	shalt  }
0x4d: {  	_ =	shalt  }
0x4e: {  	_ =	shalt  }
0x4f: {  	_ =	shalt  }
0x50: {  	_ =	shalt  }
0x51: {  	_ =	shalt  }
0x52: {  	_ =	shalt  }
0x53: {  	_ =	shalt  }
0x54: {  	_ =	shalt  }
0x55: {  	_ =	shalt  }
0x56: {  	_ =	shalt  }
0x57: {  	_ =	shalt  }
0x58: {  	_ =	shalt  }
0x59: {  	_ =	shalt  }
0x5a: {  	_ =	shalt  }
0x5b: {  	_ =	shalt  }
0x5c: {  	_ =	shalt  }
0x5d: {  	_ =	shalt  }
0x5e: {  	_ =	shalt  }
0x5f: {  	_ =	shalt  }
0x60: {  	_ =	shalt  }
0x61: {  	_ =	shalt  }
0x62: {  	_ =	shalt  }
0x63: {  	_ =	shalt  }
0x64: {  	_ =	shalt  }
0x65: {  	_ =	shalt  }
0x66: {  	_ =	shalt  }
0x67: {  	_ =	shalt  }
0x68: {  	_ =	shalt  }
0x69: {  	_ =	shalt  }
0x6a: {  	_ =	shalt  }
0x6b: {  	_ =	shalt  }
0x6c: {  	_ =	shalt  }
0x6d: {  	_ =	shalt  }
0x6e: {  	_ =	shalt  }
0x6f: {  	_ =	shalt  }
0x70: {  	_ =	shalt  }
0x71: {  	_ =	shalt  }
0x72: {  	_ =	shalt  }
0x73: {  	_ =	shalt  }
0x74: {  	_ =	shalt  }
0x75: {  	_ =	shalt  }
0x76: {  	_ =	shalt  }
0x77: {  	_ =	shalt  }
0x78: {  	_ =	shalt  }
0x79: {  	_ =	shalt  }
0x7a: {  	_ =	shalt  }
0x7b: {  	_ =	shalt  }
0x7c: {  	_ =	shalt  }
0x7d: {  	_ =	shalt  }
0x7e: {  	_ =	shalt  }
0x7f: {  	_ =	shalt  }
0x80: {  	_ =	shalt  }
0x81: {  	_ =	shalt  }
0x82: {  	_ =	shalt  }
0x83: {  	_ =	shalt  }
0x84: {  	_ =	shalt  }
0x85: {  	_ =	shalt  }
0x86: {  	_ =	shalt  }
0x87: {  	_ =	shalt  }
.Lfunc_end0:
.L_simem_size_0:
called_computation.3_lowered:
.L_overlay_start_0:
0x88: {  	s2 =	sld [smem:$0x3FD9]  }
0x89: {  	s3 =	sld [smem:$0x3FFE];
	_ =	sdelay $0x1  }
0x8a: {  	s1 =	srdreg.scid  }
0x8b: {  	s0 =	sand.u32 $0x1, s1  }
0x8c: {  	s17 =	sshll.u32 s0, $0xA;
	s2 =	sadd.s32 s3, s2  }
0x8d: {  	s2 =	sadd.s32 s2, s17  }
0x8e: {  	[smem:$0x3FBF] =	sst s2  }
0x8f: {  	_ = 	snop  }
0x90: {  	s2 =	sld [smem:$0x3FD0];
	(tm) =	ssettm $0x1  }
0x91: {  	s18 =	sld [smem:$0x3FFB];
	_ =	sdelay $0x3  }
0x92: {  	_ =	strace s18  }
0x93: {  	s3 =	sld [smem:$0x3FFC];
	_ =	sdelay $0x3  }
0x94: {  	_ =	strace s3  }
0x95: {  	s3 =	sld [smem:$0x3FFD];
	_ =	sdelay $0x3  }
0x96: {  	_ =	strace s3  }
0x97: {  	_ =	strace $0x8FFFFFFF  }
0x98: {  	s19 =	sld [smem:$0x3FDB];
	_ =	sdelay $0x1  }
0x99: {  	s4 =	simm.s32 $_scs_section_size  }
0x9a: {  	s5 =	simm.s32 $_size__tile_overlayer_lowered;
	s6 =	simm.s32 $_tile_overlayer_lowered  }
0x9b: {  	s22 =	simm.s32 $0x1BFF;
	s21 =	sshll.u32 s6, $0x1;
	s3 =	sadd.s32 s4, s19  }
0x9c: {  	s7 =	simm.s32 $0x0;
	s20 =	sshll.u32 s5, $0x1;
	s5 =	sadd.s32 s21, s3  }
0x9d: {  	[timem:s7], [sflag:s22] =	dma.local [hbm:s5], s20  }
0x9e: {  	_ =	swait.ge [sflag:s22], s20  }
0x9f: {  	s4 =	ssub.s32 $0x0, s20;
	[sflag:s22] =	ssyncset.done $0x0  }
0xa0: {  	[sflag:s22] =	ssyncadd.s32 s4;
	_ =	sdelay $0x1  }
0xa1: {  	s23 =	simm.s32 $0x1B8B  }
0xa2: {  	_ =	swait.ge [sflag:s23], $0x1  }
0xa3: {  	[sflag:s23] =	ssyncset.done $0x0  }
0xa4: {  	s25 =	simm.s32 $0x1B8E;
	s24 =	sld [smem:$0x3FFE];
	[sflag:s23] =	ssyncadd.s32 $0xFFFFFFFF  }
0xa5: {  	s26 =	simm.s32 $execute0_lowered;
	[smem:$0x3FD2] =	sst s25  }
0xa6: {  	s5 =	sshll.u32 s26, $0x1;
	_ =	strace $0x8000004F;
	[dreg:$0x1] =	wrdreg $0xFFFFFFFF  }
0xa7: {  	s28 =	simm.s32 $_size_execute0_lowered;
	s3 =	sadd.s32 s3, s5;
	[dreg:$0x0] =	wrdreg $0x0  }
0xa8: {  	s5 =	sshll.u32 s28, $0x1;
	[dreg:$0x2] =	wrdreg s3  }
0xa9: {  	[dreg:$0x3] =	wrdreg s5  }
0xaa: {  	[dreg:$0x4] =	wrdreg $0xC0  }
0xab: {  	_ =	task [dreg:s7], $0x5FFFF  }
0xac: {  	[dreg:$0x1] =	wrdreg $0xFFFFFFFF  }
0xad: {  	[dreg:$0x0] =	wrdreg $0x60  }
0xae: {  	[dreg:$0x2] =	wrdreg s2  }
0xaf: {  	[dreg:$0x3] =	wrdreg s24  }
0xb0: {  	[dreg:$0x4] =	wrdreg $0x41000  }
0xb1: {  	[dreg:$0x5] =	wrdreg $0x9  }
0xb2: {  	_ =	task.clear_ibuf [dreg:s7], $0x6FFFF;
	_ =	strace $0x9000004F  }
0xb3: {  	s29 =	simm.s32 $0x9;
	_ =	strace $0x80000051  }
0xb4: {  	_ =	swait.ge [sflag:s29], $0x1  }
0xb5: {  	[sflag:s29] =	ssyncadd.s32 $0xFFFFFFFF  }
0xb6: {  	_ =	strace $0x90000051  }
0xb7: {  	_ =	sfence  }
0xb8: {  	s30 =	sld [smem:$0x0];
	_ =	sdelay $0x2  }
0xb9: {  	s31 =	sshll.u32 s1, $0xD;
	s1 =	sshrl.u32 s1, $0x2  }
0xba: {  	s3 =	sand.u32 $0x4000, s31;
	s1 =	sadd.s32 s1, s30  }
0xbb: {  	s0 =	sor.u32 s3, s0;
	s1 =	sshll.u32 s1, $0x11  }
0xbc: {  	s0 =	sor.u32 s1, s0  }
0xbd: {  	s0 =	sadd.s32 $0x8F2B, s0  }
0xbe: {  	[sflag:s0] =	ssyncadd.remote.s32 $0x1  }
0xbf: {  	_ =	sfence.sel $0xFFFF  }
0xc0: {  	[dreg:$0x0] =	wrdreg $0xFFFFFFFF;
	(pc) =	sbr.abs _section_cstart, $3  }
0xc1: {  	[dreg:$0x1] =	wrdreg $0xFFFFFFFF  }
0xc2: {  	_ =	task.clear_ibuf [dreg:s7], $0x2FFFF;
	_ =	strace $0x9FFFFFFF  }
0xc3: {  	(tm) =	ssettm $0x7FFFFFFF  }
tec
execute0_lowered:
.L_overlay_start_1:
0x0: {  	(tag) =	ssettag $0x1  }
0x1: {  	s2 =	srdreg.scid  }
0x2: {  	s0 =	stileid.u32;
	s1 =	rddreg [dreg:$0x0]  }
0x3: {  	s7 =	rddreg [dreg:$0x1];
	s6 =	smul.u32 $0x4E80, s0  }
0x4: {  	s3 =	rddreg [dreg:$0x2];
	s4 =	simm.s32 $0x0;
	s9 =	smul.u32 $0x9D0, s0  }
0x5: {  	s13 =	simm.s32 $0x80;
	s14 =	simm.s32 $0x100;
	s24 =	smul.u32 $0x13C00, s0  }
0x6: {  	s15 =	simm.s32 $0x1;
	s5 =	sand.u32 $0x1, s2;
	s28 =	smul.u32 $0x4F000, s0  }
0x7: {  	s16 =	simm.s32 $0x0;
	s2 =	rddreg [dreg:$0x3];
	s8 =	smul.u32 $0x4E800, s5  }
0x8: {  	[smem:$0x7FF] =	sst s4;
	s31 =	sshll.u32 s0, $0x6;
	s10 =	smul.u32 $0x13C000, s5  }
0x9: {  	_ =	strace $0x80000050;
	s26 =	ssub.s32 $0x2, s5;
	s5 =	sadd.s32 $0xDC00, s7  }
0xa: {  	s9 =	sadd.s32 s9, s7;
	s29 =	sshrl.u32 s26, $0x1;
	s30 =	sshrl.u32 s28, $0x2  }
0xb: {  	s6 =	sadd.s32 s6, s8;
	s25 =	sadd.s32 s24, s10;
	s8 =	ssub.s32 s26, s29  }
0xc: {  	s12 =	sadd.s32 s30, s3;
	s9 =	sadd.s32 $0x3E00, s9;
	s6 =	sshrl.u32 s6, $0x3  }
0xd: {  	s8 =	smax.u32 s8, $0x1;
	s11 =	sadd.s32 s6, s7;
	s6 =	sshrl.u32 s25, $0x3  }
0xe: {  	s7 =	sadd.s32 s6, s7;
	s6 =	sor.u32 $0x1C02, s31;
	s10 =	sadd.s32 $0x5F600, s11  }
0xf: {  	s11 =	sshrl.u32 s12, $0x3;
	s12 =	simm.s32 $0x2;
	s7 =	sadd.s32 $0x10400, s7  }
.LBB2_1:
0x10: {  	[spmem:s11], [sflag:s6] =	dma.local [hbm:s5], $0x2780  }
0x11: {  	_ =	swait.ge [sflag:s12], $0x2780  }
0x12: {  	[sflag:s12] =	ssyncset.done $0x0  }
0x13: {  	[sflag:s12] =	ssyncadd.s32 $0xFFFFD880  }
0x14: {  	s17 =	sadd.s32 $0x0, s10;
	[bflag:$0x0] =	sbarrier.arrive $0xFFFF  }
0x15: {  	[tilespmem:s4], [sflag:$0x2] =	stream.linear.gather [hbm4b:s17+s4], $0x80, $0x38;
	[tilespmem:$0x17D00] =	vst v63  }
0x16: {  	_ =	swait.ge [sflag:s12], $0x80  }
0x17: {  	[sflag:s12] =	ssyncset.done $0x0  }
0x18: {  	s31 =	sadd.s32 $0x0, s9;
	[sflag:s12] =	ssyncadd.s32 $0xFFFFFF80  }
0x19: {  	[tilespmem:s13], [sflag:$0x2] =	stream.linear.gather [hbm4b:s31+s4], $0x80, $0x38;
	[tilespmem:$0x17D00] =	vst v63  }
0x1a: {  	_ =	swait.ge [sflag:s12], $0x80  }
0x1b: {  	s17 =	simm.s32 $0x10;
	[sflag:s12] =	ssyncset.done $0x0  }
.LBB2_2:
0x1c: {  	p0 =	sne.s32 s17, $0x9C0;
	[sflag:s12] =	ssyncadd.s32 $0xFFFFFF80  }
0x1d: {  	[tilespmem:s14], [sflag:$0x1] =	stream.indirect.gather [hbm4b:s1+s13], $0x80, s4, s13, $0xb8;
	[tilespmem:$0x17D00] =	vst v63  }
0x1e: {  	_ =	swait.ge [sflag:s15], $0x4000  }
0x1f: {  	[sflag:s15] =	ssyncset.done $0x0  }
0x20: {  	[sflag:s15] =	ssyncadd.s32 $0xFFFFC000  }
0x21: {  	[spmem:s3] =	stream.indirect.scatter.add.f32 [tilespmem:s14], [sflag:$0x2], $0x80, s13, s13, $0xb8;
	[tilespmem:$0x17D00] =	vst v63  }
0x22: {  	_ =	swait.ge [sflag:s12], $0x4000  }
0x23: {  	[sflag:s12] =	ssyncset.done $0x0  }
0x24: {  	s18 =	sadd.s32 s17, s10;
	[sflag:s12] =	ssyncadd.s32 $0xFFFFC000  }
0x25: {  	[tilespmem:s4], [sflag:$0x2] =	stream.linear.gather [hbm4b:s18+s4], $0x80, $0x38;
	[tilespmem:$0x17D00] =	vst v63  }
0x26: {  	_ =	swait.ge [sflag:s12], $0x80  }
.Ltmp0:
0x27: {  	[sflag:s12] =	ssyncset.done $0x0;
	(pc) =	sbr.rel @p0 .LBB2_2-.Ltmp0, $4  }
0x28: {  	s18 =	sadd.s32 s17, s9;
	[sflag:s12] =	ssyncadd.s32 $0xFFFFFF80  }
0x29: {  	[tilespmem:s13], [sflag:$0x2] =	stream.linear.gather [hbm4b:s18+s4], $0x80, $0x38;
	[tilespmem:$0x17D00] =	vst v63  }
0x2a: {  	_ =	swait.ge [sflag:s12], $0x80  }
0x2b: {  	s17 =	sadd.s32 $0x10, s17;
	[sflag:s12] =	ssyncset.done $0x0  }
0x2c: {  	[sflag:s12] =	ssyncadd.s32 $0xFFFFFF80  }
0x2d: {  	[tilespmem:s14], [sflag:$0x1] =	stream.indirect.gather [hbm4b:s1+s13], $0x80, s4, s13, $0xb8;
	[tilespmem:$0x17D00] =	vst v63  }
0x2e: {  	_ =	swait.ge [sflag:s15], $0x4000  }
0x2f: {  	[sflag:s15] =	ssyncset.done $0x0  }
0x30: {  	[sflag:s15] =	ssyncadd.s32 $0xFFFFC000  }
0x31: {  	[spmem:s3] =	stream.indirect.scatter.add.f32 [tilespmem:s14], [sflag:$0x2], $0x80, s13, s13, $0xb8;
	[tilespmem:$0x17D00] =	vst v63  }
0x32: {  	_ =	swait.ge [sflag:s12], $0x4000  }
0x33: {  	s16 =	sadd.s32 $0x1, s16;
	[sflag:s12] =	ssyncset.done $0x0  }
0x34: {  	p0 =	sne.s32 s16, s8;
	[sflag:s12] =	ssyncadd.s32 $0xFFFFC000  }
.Ltmp1:
0x35: {  	[bflag:$0x0] =	sbarrier.arrive $0xFFFF;
	(pc) =	sbr.rel @p0 .LBB2_1-.Ltmp1, $4  }
0x36: {  	[hbm:s7], [sflag:s6] =	dma.local [spmem:s11], $0x2780  }
0x37: {  	_ =	swait.ge [sflag:s12], $0x2780  }
0x38: {  	[sflag:s12] =	ssyncset.done $0x0  }
0x39: {  	[sflag:s12] =	ssyncadd.s32 $0xFFFFD880  }
0x3a: {  	_ =	sfence.sel $0x180000  }
0x3b: {  	[bflag:$0x0] =	sbarrier.arrive $0xFFFF  }
0x3c: {  	p0 =	sne.s32 s0, $0x0;
	_ =	strace $0x90000050  }
0x3d: {  	s0 =	sadd.s32 @!p0 $0x100000, s2;
	[bflag:$0x2] =	sbarrier.arrive $0xFFFF  }
0x3e: {  	[sflag:s0] =	ssyncadd.tile.s32 @!p0 $0x1;
	_ =	shalt  }
.Lfunc_end2:
_tile_overlayer_lowered:
.L_overlay_start_2:
0x3f: {  	(tag) =	ssettag $0x2  }
0x40: {  	s0 =	rddreg [dreg:$0x0];
	s2 =	stileid.u32  }
0x41: {  	s1 =	rddreg [dreg:$0x1];
	p0 =	sne.s32 s2, $0x0  }
0x42: {  	s3 =	rddreg [dreg:$0x2];
	[bflag:$0x3] =	sbarrier.arrive $0xFFFF;
	s2 =	simm.s32 @!p0 $0x1C02  }
0x43: {  	[timem:s3], [sflag:s2] =	dma.local @!p0 [hbm:s0], s1  }
0x44: {  	s0 =	simm.s32 @!p0 $0x2  }
0x45: {  	_ =	swait.ge @!p0 [sflag:s0], s1  }
0x46: {  	s1 =	ssub.s32 @!p0 $0x0, s1;
	[sflag:s0] =	ssyncset.done @!p0 $0x0  }
0x47: {  	[sflag:s0] =	ssyncadd.s32 @!p0 s1  }
0x48: {  	[bflag:$0x3] =	sbarrier.arrive $0xFFFF  }
0x49: {  	_ =	shalt  }

// kernel: kernel.27.cloned.1.call-start
scs
__scs_entry_jumppad:
0x0: {  	(pc) =	sbr.rel $0x88, $3  }
0x1: {  	(tag) =	ssettag $0x0;
	lr =	simm.s32 $0x1  }
0x2: {  	[smem:$0x3F98] =	sst lr;
	_ =	strace $0xD0000000  }
0x3: {  	_ = 	snop  }
0x4: {  	_ = 	snop  }
0x5: {  	_ = 	snop  }
0x6: {  	_ = 	snop  }
0x7: {  	_ = 	snop  }
__scs_overlays_trampoline_lowered:
0x8: {  	[smem:$0x3FA7] =	sst s0  }
0x9: {  	[smem:$0x3FA8] =	sst s1  }
0xa: {  	[smem:$0x3FA9] =	sst s2  }
0xb: {  	[smem:$0x3FAA] =	sst s3  }
0xc: {  	[smem:$0x3FAB] =	sst s4  }
0xd: {  	[smem:$0x3FAC] =	sst s5  }
0xe: {  	[smem:$0x3FAD] =	sst s6  }
0xf: {  	[smem:$0x3FAE] =	sst s7  }
0x10: {  	[smem:$0x3FAF] =	sst s8  }
0x11: {  	[smem:$0x3FB0] =	sst s9;
	s0 =	simm.s32 @!p0 $0x0  }
0x12: {  	s1 =	sld [smem:$0x3F96];
	s0 =	simm.s32 @p0 $0x1  }
0x13: {  	[smem:$0x3FB1] =	sst s0;
	s0 =	simm.s32 @!p1 $0x0  }
0x14: {  	s2 =	sld [smem:$0x3F95];
	s0 =	simm.s32 @p1 $0x1  }
0x15: {  	[smem:$0x3FB2] =	sst s0;
	s0 =	simm.s32 @!p2 $0x0  }
0x16: {  	s3 =	sld [smem:$0x3FDB];
	s0 =	simm.s32 @p2 $0x1  }
0x17: {  	s4 =	simm.s32 $0x1BF5;
	[smem:$0x3FB4] =	sst s0  }
0x18: {  	s0 =	sld [smem:$0x3F97];
	_ =	swait.ge [sflag:s4], $0x0  }
0x19: {  	s7 =	sld [smem:$0x3F98]  }
0x1a: {  	s8 =	sadd.s32 $0xFFFFE003, lr  }
0x1b: {  	s9 =	sadd.s32 $0xFFFFFEF7, lr;
	s5 =	simm.s32 $0xFFFFFFFF;
	p2 =	slt.u32 s8, $0xFFFFF086  }
0x1c: {  	p1 =	slt.u32 s9, $0xF7A;
	s5 =	simm.s32 @!p2 $0x0  }
0x1d: {  	s5 =	simm.s32 @p1 $0x1;
	p0 =	seq.s32 s7, s2  }
0x1e: {  	s7 =	smul.u32 @!p0 $0xF7A, s2;
	p2 =	seq.s32 @!p0 s5, $0x0  }
0x1f: {  	s9 =	smul.u32 $0xF7A, s1;
	s8 =	simm.s32 @!p0 $0x1BF5;
	p2 =	por !p2, p0  }
0x20: {  	[sflag:s8] =	ssyncset.s32 @!p0 $0xFFFFF086;
	s6 =	sadd.s32 @!p0 s3, s7;
	s7 =	simm.s32 @!p0 $0x108  }
0x21: {  	s3 =	sadd.s32 s3, s9;
	s6 =	sadd.s32 @!p0 $0x88, s6;
	s7 =	simm.s32 @p2 $0x1082  }
0x22: {  	[simem:s7], [sflag:s8] =	dma.local @!p0 [hbm:s6], $0xF7A  }
0x23: {  	s9 =	sor.u32 $0xD0000000, s2;
	s6 =	simm.s32 $0x108;
	_ =	swait.ge @!p0 [sflag:s8], $0x0  }
0x24: {  	s3 =	sadd.s32 $0x88, s3;
	s6 =	simm.s32 @!p1 $0x1082;
	[sflag:s4] =	ssyncset.s32 $0xFFFFF086  }
0x25: {  	[simem:s6], [sflag:s4] =	dma.local [hbm:s3], $0xF7A  }
0x26: {  	[smem:$0x3F98] =	sst s1;
	(tag) =	ssettag s2;
	_ =	strace s9  }
0x27: {  	s1 =	sld [smem:$0x3FA8]  }
0x28: {  	s2 =	sld [smem:$0x3FA9]  }
0x29: {  	s4 =	sld [smem:$0x3FAB]  }
0x2a: {  	p0 =	seq.s32 s5, $0x0;
	s5 =	sld [smem:$0x3FAC]  }
0x2b: {  	s6 =	sld [smem:$0x3FAD]  }
0x2c: {  	s7 =	sld [smem:$0x3FAE]  }
0x2d: {  	s3 =	simm.s32 $0x108;
	s8 =	sld [smem:$0x3FAF]  }
0x2e: {  	s3 =	simm.s32 @!p0 $0x1082;
	s9 =	sld [smem:$0x3FB0]  }
0x2f: {  	lr =	sadd.s32 s0, s3;
	s0 =	sld [smem:$0x3FA7]  }
0x30: {  	s3 =	sld [smem:$0x3FAA]  }
0x31: {  	[smem:$0x3FB3] =	sst s10  }
0x32: {  	s10 =	sld [smem:$0x3FB1];
	_ =	sdelay $0x3  }
0x33: {  	p0 =	seq.s32 s10, $0x1;
	s10 =	sld [smem:$0x3FB3];
	_ =	sdelay $0x3  }
0x34: {  	[smem:$0x3FB3] =	sst s10  }
0x35: {  	s10 =	sld [smem:$0x3FB2];
	_ =	sdelay $0x3  }
0x36: {  	p1 =	seq.s32 s10, $0x1;
	s10 =	sld [smem:$0x3FB3];
	_ =	sdelay $0x3  }
0x37: {  	[smem:$0x3FB3] =	sst s10  }
0x38: {  	s10 =	sld [smem:$0x3FB4]  }
0x39: {  	_ = 	snop;
	(pc) =	sbr.ind lr, $3  }
0x3a: {  	_ = 	snop  }
0x3b: {  	_ = 	snop  }
0x3c: {  	p2 =	seq.s32 s10, $0x1;
	s10 =	sld [smem:$0x3FB3]  }
0x3d: {  	_ =	shalt  }
0x3e: {  	_ =	shalt  }
0x3f: {  	_ =	shalt  }
0x40: {  	_ =	shalt  }
0x41: {  	_ =	shalt  }
0x42: {  	_ =	shalt  }
0x43: {  	_ =	shalt  }
0x44: {  	_ =	shalt  }
0x45: {  	_ =	shalt  }
0x46: {  	_ =	shalt  }
0x47: {  	_ =	shalt  }
0x48: {  	_ =	shalt  }
0x49: {  	_ =	shalt  }
0x4a: {  	_ =	shalt  }
0x4b: {  	_ =	shalt  }
0x4c: {  	_ =	shalt  }
0x4d: {  	_ =	shalt  }
0x4e: {  	_ =	shalt  }
0x4f: {  	_ =	shalt  }
0x50: {  	_ =	shalt  }
0x51: {  	_ =	shalt  }
0x52: {  	_ =	shalt  }
0x53: {  	_ =	shalt  }
0x54: {  	_ =	shalt  }
0x55: {  	_ =	shalt  }
0x56: {  	_ =	shalt  }
0x57: {  	_ =	shalt  }
0x58: {  	_ =	shalt  }
0x59: {  	_ =	shalt  }
0x5a: {  	_ =	shalt  }
0x5b: {  	_ =	shalt  }
0x5c: {  	_ =	shalt  }
0x5d: {  	_ =	shalt  }
0x5e: {  	_ =	shalt  }
0x5f: {  	_ =	shalt  }
0x60: {  	_ =	shalt  }
0x61: {  	_ =	shalt  }
0x62: {  	_ =	shalt  }
0x63: {  	_ =	shalt  }
0x64: {  	_ =	shalt  }
0x65: {  	_ =	shalt  }
0x66: {  	_ =	shalt  }
0x67: {  	_ =	shalt  }
0x68: {  	_ =	shalt  }
0x69: {  	_ =	shalt  }
0x6a: {  	_ =	shalt  }
0x6b: {  	_ =	shalt  }
0x6c: {  	_ =	shalt  }
0x6d: {  	_ =	shalt  }
0x6e: {  	_ =	shalt  }
0x6f: {  	_ =	shalt  }
0x70: {  	_ =	shalt  }
0x71: {  	_ =	shalt  }
0x72: {  	_ =	shalt  }
0x73: {  	_ =	shalt  }
0x74: {  	_ =	shalt  }
0x75: {  	_ =	shalt  }
0x76: {  	_ =	shalt  }
0x77: {  	_ =	shalt  }
0x78: {  	_ =	shalt  }
0x79: {  	_ =	shalt  }
0x7a: {  	_ =	shalt  }
0x7b: {  	_ =	shalt  }
0x7c: {  	_ =	shalt  }
0x7d: {  	_ =	shalt  }
0x7e: {  	_ =	shalt  }
0x7f: {  	_ =	shalt  }
0x80: {  	_ =	shalt  }
0x81: {  	_ =	shalt  }
0x82: {  	_ =	shalt  }
0x83: {  	_ =	shalt  }
0x84: {  	_ =	shalt  }
0x85: {  	_ =	shalt  }
0x86: {  	_ =	shalt  }
0x87: {  	_ =	shalt  }
.Lfunc_end0:
.L_simem_size_0:
called_computation.4_lowered:
.L_overlay_start_0:
0x88: {  	s2 =	sld [smem:$0x3FD9]  }
0x89: {  	s3 =	sld [smem:$0x3FFE];
	_ =	sdelay $0x1  }
0x8a: {  	s1 =	srdreg.scid  }
0x8b: {  	s0 =	sand.u32 $0x1, s1  }
0x8c: {  	s17 =	sshll.u32 s0, $0xA;
	s2 =	sadd.s32 s3, s2  }
0x8d: {  	s2 =	sadd.s32 s2, s17  }
0x8e: {  	[smem:$0x3FBF] =	sst s2  }
0x8f: {  	_ = 	snop  }
0x90: {  	s2 =	sld [smem:$0x3FD0];
	(tm) =	ssettm $0x1  }
0x91: {  	s18 =	sld [smem:$0x3FFB];
	_ =	sdelay $0x3  }
0x92: {  	_ =	strace s18  }
0x93: {  	s3 =	sld [smem:$0x3FFC];
	_ =	sdelay $0x3  }
0x94: {  	_ =	strace s3  }
0x95: {  	s3 =	sld [smem:$0x3FFD];
	_ =	sdelay $0x3  }
0x96: {  	_ =	strace s3  }
0x97: {  	_ =	strace $0x8FFFFFFF  }
0x98: {  	s19 =	sld [smem:$0x3FDB];
	_ =	sdelay $0x1  }
0x99: {  	s4 =	simm.s32 $_scs_section_size  }
0x9a: {  	s5 =	simm.s32 $_size__tile_overlayer_lowered;
	s6 =	simm.s32 $_tile_overlayer_lowered  }
0x9b: {  	s22 =	simm.s32 $0x1BFF;
	s21 =	sshll.u32 s6, $0x1;
	s3 =	sadd.s32 s4, s19  }
0x9c: {  	s7 =	simm.s32 $0x0;
	s20 =	sshll.u32 s5, $0x1;
	s5 =	sadd.s32 s21, s3  }
0x9d: {  	[timem:s7], [sflag:s22] =	dma.local [hbm:s5], s20  }
0x9e: {  	_ =	swait.ge [sflag:s22], s20  }
0x9f: {  	s4 =	ssub.s32 $0x0, s20;
	[sflag:s22] =	ssyncset.done $0x0  }
0xa0: {  	[sflag:s22] =	ssyncadd.s32 s4;
	_ =	sdelay $0x1  }
0xa1: {  	s23 =	simm.s32 $0x1B8B  }
0xa2: {  	_ =	swait.ge [sflag:s23], $0x1  }
0xa3: {  	[sflag:s23] =	ssyncset.done $0x0  }
0xa4: {  	s25 =	simm.s32 $0x1B8E;
	s24 =	sld [smem:$0x3FFE];
	[sflag:s23] =	ssyncadd.s32 $0xFFFFFFFF  }
0xa5: {  	s26 =	simm.s32 $execute0_lowered;
	[smem:$0x3FD2] =	sst s25  }
0xa6: {  	s5 =	sshll.u32 s26, $0x1;
	_ =	strace $0x80000052;
	[dreg:$0x1] =	wrdreg $0xFFFFFFFF  }
0xa7: {  	s28 =	simm.s32 $_size_execute0_lowered;
	s3 =	sadd.s32 s3, s5;
	[dreg:$0x0] =	wrdreg $0x0  }
0xa8: {  	s5 =	sshll.u32 s28, $0x1;
	[dreg:$0x2] =	wrdreg s3  }
0xa9: {  	[dreg:$0x3] =	wrdreg s5  }
0xaa: {  	[dreg:$0x4] =	wrdreg $0xC0  }
0xab: {  	_ =	task [dreg:s7], $0x5FFFF  }
0xac: {  	[dreg:$0x1] =	wrdreg $0xFFFFFFFF  }
0xad: {  	[dreg:$0x0] =	wrdreg $0x60  }
0xae: {  	[dreg:$0x2] =	wrdreg s2  }
0xaf: {  	[dreg:$0x3] =	wrdreg s24  }
0xb0: {  	[dreg:$0x4] =	wrdreg $0x41000  }
0xb1: {  	[dreg:$0x5] =	wrdreg $0x9  }
0xb2: {  	_ =	task.clear_ibuf [dreg:s7], $0x6FFFF;
	_ =	strace $0x90000052  }
0xb3: {  	s29 =	simm.s32 $0x9;
	_ =	strace $0x80000054  }
0xb4: {  	_ =	swait.ge [sflag:s29], $0x1  }
0xb5: {  	[sflag:s29] =	ssyncadd.s32 $0xFFFFFFFF  }
0xb6: {  	_ =	strace $0x90000054  }
0xb7: {  	_ =	sfence  }
0xb8: {  	s30 =	sld [smem:$0x0];
	_ =	sdelay $0x2  }
0xb9: {  	s31 =	sshll.u32 s1, $0xD;
	s1 =	sshrl.u32 s1, $0x2  }
0xba: {  	s3 =	sand.u32 $0x4000, s31;
	s1 =	sadd.s32 s1, s30  }
0xbb: {  	s0 =	sor.u32 s3, s0;
	s1 =	sshll.u32 s1, $0x11  }
0xbc: {  	s0 =	sor.u32 s1, s0  }
0xbd: {  	s0 =	sadd.s32 $0x8F2B, s0  }
0xbe: {  	[sflag:s0] =	ssyncadd.remote.s32 $0x1  }
0xbf: {  	_ =	sfence.sel $0xFFFF  }
0xc0: {  	[dreg:$0x0] =	wrdreg $0xFFFFFFFF;
	(pc) =	sbr.abs _section_cstart, $3  }
0xc1: {  	[dreg:$0x1] =	wrdreg $0xFFFFFFFF  }
0xc2: {  	_ =	task.clear_ibuf [dreg:s7], $0x2FFFF;
	_ =	strace $0x9FFFFFFF  }
0xc3: {  	(tm) =	ssettm $0x7FFFFFFF  }
tec
execute0_lowered:
.L_overlay_start_1:
0x0: {  	(tag) =	ssettag $0x1  }
0x1: {  	s2 =	srdreg.scid  }
0x2: {  	s0 =	stileid.u32;
	s1 =	rddreg [dreg:$0x0]  }
0x3: {  	s7 =	rddreg [dreg:$0x1];
	s6 =	smul.u32 $0x4E80, s0  }
0x4: {  	s3 =	rddreg [dreg:$0x2];
	s4 =	simm.s32 $0x0;
	s9 =	smul.u32 $0x9D0, s0  }
0x5: {  	s13 =	simm.s32 $0x80;
	s14 =	simm.s32 $0x100;
	s24 =	smul.u32 $0x13C00, s0  }
0x6: {  	s15 =	simm.s32 $0x1;
	s5 =	sand.u32 $0x1, s2;
	s28 =	smul.u32 $0x4F000, s0  }
0x7: {  	s16 =	simm.s32 $0x0;
	s2 =	rddreg [dreg:$0x3];
	s8 =	smul.u32 $0x4E800, s5  }
0x8: {  	[smem:$0x7FF] =	sst s4;
	s31 =	sshll.u32 s0, $0x6;
	s10 =	smul.u32 $0x13C000, s5  }
0x9: {  	_ =	strace $0x80000053;
	s26 =	ssub.s32 $0x2, s5;
	s5 =	sadd.s32 $0xDC00, s7  }
0xa: {  	s9 =	sadd.s32 s9, s7;
	s29 =	sshrl.u32 s26, $0x1;
	s30 =	sshrl.u32 s28, $0x2  }
0xb: {  	s6 =	sadd.s32 s6, s8;
	s25 =	sadd.s32 s24, s10;
	s8 =	ssub.s32 s26, s29  }
0xc: {  	s12 =	sadd.s32 s30, s3;
	s9 =	sadd.s32 $0x3E00, s9;
	s6 =	sshrl.u32 s6, $0x3  }
0xd: {  	s8 =	smax.u32 s8, $0x1;
	s11 =	sadd.s32 s6, s7;
	s6 =	sshrl.u32 s25, $0x3  }
0xe: {  	s7 =	sadd.s32 s6, s7;
	s6 =	sor.u32 $0x1C02, s31;
	s10 =	sadd.s32 $0x5F600, s11  }
0xf: {  	s11 =	sshrl.u32 s12, $0x3;
	s12 =	simm.s32 $0x2;
	s7 =	sadd.s32 $0x10400, s7  }
.LBB2_1:
0x10: {  	[spmem:s11], [sflag:s6] =	dma.local [hbm:s5], $0x2780  }
0x11: {  	_ =	swait.ge [sflag:s12], $0x2780  }
0x12: {  	[sflag:s12] =	ssyncset.done $0x0  }
0x13: {  	[sflag:s12] =	ssyncadd.s32 $0xFFFFD880  }
0x14: {  	s17 =	sadd.s32 $0x0, s10;
	[bflag:$0x0] =	sbarrier.arrive $0xFFFF  }
0x15: {  	[tilespmem:s4], [sflag:$0x2] =	stream.linear.gather [hbm4b:s17+s4], $0x80, $0x38;
	[tilespmem:$0x17D00] =	vst v63  }
0x16: {  	_ =	swait.ge [sflag:s12], $0x80  }
0x17: {  	[sflag:s12] =	ssyncset.done $0x0  }
0x18: {  	s31 =	sadd.s32 $0x0, s9;
	[sflag:s12] =	ssyncadd.s32 $0xFFFFFF80  }
0x19: {  	[tilespmem:s13], [sflag:$0x2] =	stream.linear.gather [hbm4b:s31+s4], $0x80, $0x38;
	[tilespmem:$0x17D00] =	vst v63  }
0x1a: {  	_ =	swait.ge [sflag:s12], $0x80  }
0x1b: {  	s17 =	simm.s32 $0x10;
	[sflag:s12] =	ssyncset.done $0x0  }
.LBB2_2:
0x1c: {  	p0 =	sne.s32 s17, $0x9C0;
	[sflag:s12] =	ssyncadd.s32 $0xFFFFFF80  }
0x1d: {  	[tilespmem:s14], [sflag:$0x1] =	stream.indirect.gather [hbm4b:s1+s13], $0x80, s4, s13, $0xb8;
	[tilespmem:$0x17D00] =	vst v63  }
0x1e: {  	_ =	swait.ge [sflag:s15], $0x4000  }
0x1f: {  	[sflag:s15] =	ssyncset.done $0x0  }
0x20: {  	[sflag:s15] =	ssyncadd.s32 $0xFFFFC000  }
0x21: {  	[spmem:s3] =	stream.indirect.scatter.add.f32 [tilespmem:s14], [sflag:$0x2], $0x80, s13, s13, $0xb8;
	[tilespmem:$0x17D00] =	vst v63  }
0x22: {  	_ =	swait.ge [sflag:s12], $0x4000  }
0x23: {  	[sflag:s12] =	ssyncset.done $0x0  }
0x24: {  	s18 =	sadd.s32 s17, s10;
	[sflag:s12] =	ssyncadd.s32 $0xFFFFC000  }
0x25: {  	[tilespmem:s4], [sflag:$0x2] =	stream.linear.gather [hbm4b:s18+s4], $0x80, $0x38;
	[tilespmem:$0x17D00] =	vst v63  }
0x26: {  	_ =	swait.ge [sflag:s12], $0x80  }
.Ltmp0:
0x27: {  	[sflag:s12] =	ssyncset.done $0x0;
	(pc) =	sbr.rel @p0 .LBB2_2-.Ltmp0, $4  }
0x28: {  	s18 =	sadd.s32 s17, s9;
	[sflag:s12] =	ssyncadd.s32 $0xFFFFFF80  }
0x29: {  	[tilespmem:s13], [sflag:$0x2] =	stream.linear.gather [hbm4b:s18+s4], $0x80, $0x38;
	[tilespmem:$0x17D00] =	vst v63  }
0x2a: {  	_ =	swait.ge [sflag:s12], $0x80  }
0x2b: {  	s17 =	sadd.s32 $0x10, s17;
	[sflag:s12] =	ssyncset.done $0x0  }
0x2c: {  	[sflag:s12] =	ssyncadd.s32 $0xFFFFFF80  }
0x2d: {  	[tilespmem:s14], [sflag:$0x1] =	stream.indirect.gather [hbm4b:s1+s13], $0x80, s4, s13, $0xb8;
	[tilespmem:$0x17D00] =	vst v63  }
0x2e: {  	_ =	swait.ge [sflag:s15], $0x4000  }
0x2f: {  	[sflag:s15] =	ssyncset.done $0x0  }
0x30: {  	[sflag:s15] =	ssyncadd.s32 $0xFFFFC000  }
0x31: {  	[spmem:s3] =	stream.indirect.scatter.add.f32 [tilespmem:s14], [sflag:$0x2], $0x80, s13, s13, $0xb8;
	[tilespmem:$0x17D00] =	vst v63  }
0x32: {  	_ =	swait.ge [sflag:s12], $0x4000  }
0x33: {  	s16 =	sadd.s32 $0x1, s16;
	[sflag:s12] =	ssyncset.done $0x0  }
0x34: {  	p0 =	sne.s32 s16, s8;
	[sflag:s12] =	ssyncadd.s32 $0xFFFFC000  }
.Ltmp1:
0x35: {  	[bflag:$0x0] =	sbarrier.arrive $0xFFFF;
	(pc) =	sbr.rel @p0 .LBB2_1-.Ltmp1, $4  }
0x36: {  	[hbm:s7], [sflag:s6] =	dma.local [spmem:s11], $0x2780  }
0x37: {  	_ =	swait.ge [sflag:s12], $0x2780  }
0x38: {  	[sflag:s12] =	ssyncset.done $0x0  }
0x39: {  	[sflag:s12] =	ssyncadd.s32 $0xFFFFD880  }
0x3a: {  	_ =	sfence.sel $0x180000  }
0x3b: {  	[bflag:$0x0] =	sbarrier.arrive $0xFFFF  }
0x3c: {  	p0 =	sne.s32 s0, $0x0;
	_ =	strace $0x90000053  }
0x3d: {  	s0 =	sadd.s32 @!p0 $0x100000, s2;
	[bflag:$0x2] =	sbarrier.arrive $0xFFFF  }
0x3e: {  	[sflag:s0] =	ssyncadd.tile.s32 @!p0 $0x1;
	_ =	shalt  }
.Lfunc_end2:
_tile_overlayer_lowered:
.L_overlay_start_2:
0x3f: {  	(tag) =	ssettag $0x2  }
0x40: {  	s0 =	rddreg [dreg:$0x0];
	s2 =	stileid.u32  }
0x41: {  	s1 =	rddreg [dreg:$0x1];
	p0 =	sne.s32 s2, $0x0  }
0x42: {  	s3 =	rddreg [dreg:$0x2];
	[bflag:$0x3] =	sbarrier.arrive $0xFFFF;
	s2 =	simm.s32 @!p0 $0x1C02  }
0x43: {  	[timem:s3], [sflag:s2] =	dma.local @!p0 [hbm:s0], s1  }
0x44: {  	s0 =	simm.s32 @!p0 $0x2  }
0x45: {  	_ =	swait.ge @!p0 [sflag:s0], s1  }
0x46: {  	s1 =	ssub.s32 @!p0 $0x0, s1;
	[sflag:s0] =	ssyncset.done @!p0 $0x0  }
0x47: {  	[sflag:s0] =	ssyncadd.s32 @!p0 s1  }
0x48: {  	[bflag:$0x3] =	sbarrier.arrive $0xFFFF  }
0x49: {  	_ =	shalt  }

</sc_bundles>
